<compile_context>
chip_gen: v7x
topology: tpu7x:2x2x1
jax: 0.10.2.dev20260603
libtpu: 0.0.44.dev20260713+nightly
codegen_flags: <defaults>
</compile_context>

<pallas_src>
import functools

import jax
import jax.numpy as jnp
from jax import lax
from jax.experimental import pallas as pl
from jax.experimental.pallas import tpu as pltpu
from jax.experimental.pallas import tpu_sc as plsc

EMB = 64
BATCH = 16384
NC = 2
NS = 16
NW = NC * NS
BPW = BATCH // NW
CHUNK = 128
NCHUNK = BPW // CHUNK
NGROUP = BPW // 16
LANES = 16
PSTRIDE = LANES + 1


def _amf_body(a_ref, b_ref, tab_ref, btab_ref, wv_ref, w0b_ref, out_ref,
              idx_a, idx_b, rows_a, rows_b, ba, bb, wv_v, w0b_v, ps, out_v,
              sem):
    wid = lax.axis_index("s") * NC + lax.axis_index("c")
    base = wid * BPW

    pltpu.sync_copy(a_ref.at[pl.ds(wid * NCHUNK, NCHUNK)], idx_a)
    pltpu.sync_copy(b_ref.at[pl.ds(wid * NCHUNK, NCHUNK)], idx_b)
    pltpu.sync_copy(wv_ref, wv_v)
    pltpu.sync_copy(w0b_ref, w0b_v)

    copies = []
    for k in range(NCHUNK):
        copies.append(pltpu.async_copy(
            tab_ref.at[idx_a.at[k]], rows_a.at[pl.ds(k * CHUNK, CHUNK)], sem))
        copies.append(pltpu.async_copy(
            tab_ref.at[idx_b.at[k]], rows_b.at[pl.ds(k * CHUNK, CHUNK)], sem))
        copies.append(pltpu.async_copy(
            btab_ref.at[idx_a.at[k]], ba.at[pl.ds(k * CHUNK, CHUNK)], sem))
        copies.append(pltpu.async_copy(
            btab_ref.at[idx_b.at[k]], bb.at[pl.ds(k * CHUNK, CHUNK)], sem))
    for c in copies:
        c.wait()

    wvs = [wv_v[pl.ds(c * LANES, LANES)] for c in range(EMB // LANES)]
    lanes = lax.iota(jnp.int32, LANES)
    w0v = w0b_v[0]
    biasv = w0b_v[1]

    UNROLL = 4

    def elem(i, carry):
        for u in range(UNROLL):
            ii = i * UNROLL + u
            p = None
            for c in range(EMB // LANES):
                ra = rows_a[ii, pl.ds(c * LANES, LANES)]
                rb = rows_b[ii, pl.ds(c * LANES, LANES)]
                t = ra * rb * wvs[c]
                p = t if p is None else p + t
            ps[ii, pl.ds(0, LANES)] = p
        return carry

    lax.fori_loop(0, BPW // UNROLL, elem, 0)

    def group(g, carry):
        ridx = lanes + g * LANES
        s = None
        for c in range(LANES):
            cc = jnp.full((LANES,), c, jnp.int32)
            col = plsc.load_gather(ps, [ridx, cc])
            s = col if s is None else s + col
        bav = ba[pl.ds(g * LANES, LANES)]
        bbv = bb[pl.ds(g * LANES, LANES)]
        acc = (bav + bbv) * w0v + biasv + s
        out_v[pl.ds(g * LANES, LANES)] = 1.0 / (1.0 + jnp.exp(-acc))
        return carry

    lax.fori_loop(0, NGROUP, group, 0)
    pltpu.sync_copy(out_v, out_ref.at[pl.ds(base, BPW)])


@functools.partial(jax.jit, static_argnames=())
def kernel(a, b, emb_table, emb_b_table, W, bias):
    a2 = a.astype(jnp.int32).reshape(NW * NCHUNK, CHUNK)
    b2 = b.astype(jnp.int32).reshape(NW * NCHUNK, CHUNK)
    wv = W[1:, 0]
    w0b = jnp.stack([jnp.full((LANES,), W[0, 0], jnp.float32),
                     jnp.full((LANES,), bias[0], jnp.float32)])

    mesh = plsc.VectorSubcoreMesh(core_axis_name="c", subcore_axis_name="s")
    run = pl.kernel(
        _amf_body,
        out_type=jax.ShapeDtypeStruct((BATCH,), jnp.float32),
        mesh=mesh,
        scratch_types=[
            pltpu.VMEM((NCHUNK, CHUNK), jnp.int32),
            pltpu.VMEM((NCHUNK, CHUNK), jnp.int32),
            pltpu.VMEM((BPW, EMB), jnp.float32),
            pltpu.VMEM((BPW, EMB), jnp.float32),
            pltpu.VMEM((BPW,), jnp.float32),
            pltpu.VMEM((BPW,), jnp.float32),
            pltpu.VMEM((EMB,), jnp.float32),
            pltpu.VMEM((2, LANES), jnp.float32),
            pltpu.VMEM((BPW, PSTRIDE), jnp.float32),
            pltpu.VMEM((BPW,), jnp.float32),
            pltpu.SemaphoreType.DMA,
        ],
        compiler_params=pltpu.CompilerParams(
            needs_layout_passes=False, use_tc_tiling_on_sc=False),
    )
    out = run(a2, b2, emb_table, emb_b_table.reshape(-1), wv, w0b)
    return out.reshape(BATCH, 1)

# --- scband reference (transcript-rebuilt; emitter-appended) ---
"""Pipeline reference for scband-amf-90486370992454 (READ-ONLY COPY).

The authoritative reference and input builder live on the scoring server;
editing this copy changes nothing except your own understanding.
"""

import jax, jax.numpy as jnp
import numpy as np

VOCAB = 1000000
EMB = 64
BATCH = 16384

def setup_inputs(seed: int = 0) -> dict:
    key = jax.random.key(seed)
    k1, k2, k3, k4, k5, k6 = jax.random.split(key, 6)
    a = jax.random.randint(k1, (BATCH,), 0, VOCAB, dtype=jnp.int64) if jax.config.jax_enable_x64 else jax.random.randint(k1, (BATCH,), 0, VOCAB).astype(jnp.int32)
    b = jax.random.randint(k2, (BATCH,), 0, VOCAB).astype(a.dtype)
    emb_table = jax.random.normal(k3, (VOCAB, EMB), dtype=jnp.float32)
    emb_b_table = jax.random.normal(k4, (VOCAB, 1), dtype=jnp.float32)
    W = jax.random.normal(k5, (EMB + 1, 1), dtype=jnp.float32) * 0.05
    bias = jax.random.normal(k6, (1,), dtype=jnp.float32) * 0.05
    return {"a": a, "b": b, "emb_table": emb_table, "emb_b_table": emb_b_table, "W": W, "bias": bias}

def reference(a, b, emb_table, emb_b_table, W, bias):
    # bias embedding lookups -> [B, 1]
    emb1_b = jnp.take(emb_b_table, a, axis=0)
    emb2_b = jnp.take(emb_b_table, b, axis=0)
    b_add = emb1_b + emb2_b
    # main embedding lookups -> [B, EMB]
    emb1 = jnp.take(emb_table, a, axis=0)
    emb2 = jnp.take(emb_table, b, axis=0)
    mult = emb1 * emb2
    concat = jnp.concatenate((b_add, mult), axis=1)  # [B, EMB+1]
    out = concat @ W + bias  # [B, 1]
    out = jax.nn.sigmoid(out)
    return out

if __name__ == "__main__":
    import jax
    _d = setup_inputs()
    print(jax.jit(kernel)(*tuple(_d.values())))

</pallas_src>

<mosaic_0001>
#map = affine_map<(d0, d1) -> (0, 0)>
#map1 = affine_map<(d0, d1) -> (0)>
module attributes {stable_mosaic.version = 14 : i64} {
  func.func @_amf_body(%arg0: i32, %arg1: i32, %arg2: memref<128x128xi32, #tpu.memory_space<hbm>>, %arg3: memref<128x128xi32, #tpu.memory_space<hbm>>, %arg4: memref<1000000x64xf32, #tpu.memory_space<hbm>>, %arg5: memref<1000000xf32, #tpu.memory_space<hbm>>, %arg6: memref<64xf32, #tpu.memory_space<hbm>>, %arg7: memref<2x16xf32, #tpu.memory_space<hbm>>, %arg8: memref<16384xf32, #tpu.memory_space<hbm>>, %arg9: memref<4x128xi32, #tpu.memory_space<vmem>>, %arg10: memref<4x128xi32, #tpu.memory_space<vmem>>, %arg11: memref<512x64xf32, #tpu.memory_space<vmem>>, %arg12: memref<512x64xf32, #tpu.memory_space<vmem>>, %arg13: memref<512xf32, #tpu.memory_space<vmem>>, %arg14: memref<512xf32, #tpu.memory_space<vmem>>, %arg15: memref<64xf32, #tpu.memory_space<vmem>>, %arg16: memref<2x16xf32, #tpu.memory_space<vmem>>, %arg17: memref<512x17xf32, #tpu.memory_space<vmem>>, %arg18: memref<512xf32, #tpu.memory_space<vmem>>, %arg19: memref<!tpu.dma_semaphore, #tpu.memory_space<semaphore_mem>>) attributes {dimension_semantics = [#tpu.dimension_semantics<core_parallel>, #tpu.dimension_semantics<subcore_parallel>], iteration_bounds = array<i64: 2, 16>, scalar_prefetch = 0 : i64, scratch_operands = 11 : i64, tpu.core_type = #tpu.core_type<sc_vector_subcore>, window_params = [{transform_indices = #map}, {transform_indices = #map}, {transform_indices = #map}, {transform_indices = #map1}, {transform_indices = #map1}, {transform_indices = #map}, {transform_indices = #map1}]} {
    %mul3A = arith.constant 2 : i32
    %mul3A_0 = arith.muli %arg1, %mul3A : i32
    %add3A = arith.addi %mul3A_0, %arg0 : i32
    %mul3A_1 = arith.constant 512 : i32
    %mul3A_2 = arith.muli %add3A, %mul3A_1 : i32
    %mul3A_3 = arith.constant 4 : i32
    %mul3A_4 = arith.muli %add3A, %mul3A_3 : i32
    "tpu.region"() ({
      %run_scoped3A = tpu.sem_alloc : memref<!tpu.dma_semaphore, #tpu.memory_space<semaphore_mem>>
      %dma_start3A_319 = arith.constant 0 : i32
      %dma_start3A_320 = tpu.memref_slice %arg2[%mul3A_4, %dma_start3A_319] : memref<128x128xi32, #tpu.memory_space<hbm>> -> memref<4x128xi32, #tpu.memory_space<hbm>>
      %dma_start3A_321 = arith.constant 0 : i32
      %dma_start3A_322 = tpu.memref_slice %arg2[%mul3A_4, %dma_start3A_321] : memref<128x128xi32, #tpu.memory_space<hbm>> -> memref<4x128xi32, #tpu.memory_space<hbm>>
      tpu.enqueue_dma source(%dma_start3A_322 : memref<4x128xi32, #tpu.memory_space<hbm>>) target(%arg9 : memref<4x128xi32, #tpu.memory_space<vmem>>) target_semaphore(%run_scoped3A : memref<!tpu.dma_semaphore, #tpu.memory_space<semaphore_mem>>)
      %dma_wait3A_323 = arith.constant 0 : i32
      %dma_wait3A_324 = tpu.memref_slice %arg2[%mul3A_4, %dma_wait3A_323] : memref<128x128xi32, #tpu.memory_space<hbm>> -> memref<4x128xi32, #tpu.memory_space<hbm>>
      %dma_wait3A_325 = arith.constant 0 : i32
      %dma_wait3A_326 = tpu.memref_slice %arg2[%mul3A_4, %dma_wait3A_325] : memref<128x128xi32, #tpu.memory_space<hbm>> -> memref<4x128xi32, #tpu.memory_space<hbm>>
      tpu.wait_dma2 semaphore(%run_scoped3A : memref<!tpu.dma_semaphore, #tpu.memory_space<semaphore_mem>>) src(%dma_wait3A_326 : memref<4x128xi32, #tpu.memory_space<hbm>>) dst(%arg9 : memref<4x128xi32, #tpu.memory_space<vmem>>)
      tpu.yield
    }) : () -> ()
    %mul3A_5 = arith.constant 4 : i32
    %mul3A_6 = arith.muli %add3A, %mul3A_5 : i32
    "tpu.region"() ({
      %run_scoped3A = tpu.sem_alloc : memref<!tpu.dma_semaphore, #tpu.memory_space<semaphore_mem>>
      %dma_start3A_319 = arith.constant 0 : i32
      %dma_start3A_320 = tpu.memref_slice %arg3[%mul3A_6, %dma_start3A_319] : memref<128x128xi32, #tpu.memory_space<hbm>> -> memref<4x128xi32, #tpu.memory_space<hbm>>
      %dma_start3A_321 = arith.constant 0 : i32
      %dma_start3A_322 = tpu.memref_slice %arg3[%mul3A_6, %dma_start3A_321] : memref<128x128xi32, #tpu.memory_space<hbm>> -> memref<4x128xi32, #tpu.memory_space<hbm>>
      tpu.enqueue_dma source(%dma_start3A_322 : memref<4x128xi32, #tpu.memory_space<hbm>>) target(%arg10 : memref<4x128xi32, #tpu.memory_space<vmem>>) target_semaphore(%run_scoped3A : memref<!tpu.dma_semaphore, #tpu.memory_space<semaphore_mem>>)
      %dma_wait3A_323 = arith.constant 0 : i32
      %dma_wait3A_324 = tpu.memref_slice %arg3[%mul3A_6, %dma_wait3A_323] : memref<128x128xi32, #tpu.memory_space<hbm>> -> memref<4x128xi32, #tpu.memory_space<hbm>>
      %dma_wait3A_325 = arith.constant 0 : i32
      %dma_wait3A_326 = tpu.memref_slice %arg3[%mul3A_6, %dma_wait3A_325] : memref<128x128xi32, #tpu.memory_space<hbm>> -> memref<4x128xi32, #tpu.memory_space<hbm>>
      tpu.wait_dma2 semaphore(%run_scoped3A : memref<!tpu.dma_semaphore, #tpu.memory_space<semaphore_mem>>) src(%dma_wait3A_326 : memref<4x128xi32, #tpu.memory_space<hbm>>) dst(%arg10 : memref<4x128xi32, #tpu.memory_space<vmem>>)
      tpu.yield
    }) : () -> ()
    "tpu.region"() ({
      %run_scoped3A = tpu.sem_alloc : memref<!tpu.dma_semaphore, #tpu.memory_space<semaphore_mem>>
      tpu.enqueue_dma source(%arg6 : memref<64xf32, #tpu.memory_space<hbm>>) target(%arg15 : memref<64xf32, #tpu.memory_space<vmem>>) target_semaphore(%run_scoped3A : memref<!tpu.dma_semaphore, #tpu.memory_space<semaphore_mem>>)
      tpu.wait_dma2 semaphore(%run_scoped3A : memref<!tpu.dma_semaphore, #tpu.memory_space<semaphore_mem>>) src(%arg6 : memref<64xf32, #tpu.memory_space<hbm>>) dst(%arg15 : memref<64xf32, #tpu.memory_space<vmem>>)
      tpu.yield
    }) : () -> ()
    "tpu.region"() ({
      %run_scoped3A = tpu.sem_alloc : memref<!tpu.dma_semaphore, #tpu.memory_space<semaphore_mem>>
      tpu.enqueue_dma source(%arg7 : memref<2x16xf32, #tpu.memory_space<hbm>>) target(%arg16 : memref<2x16xf32, #tpu.memory_space<vmem>>) target_semaphore(%run_scoped3A : memref<!tpu.dma_semaphore, #tpu.memory_space<semaphore_mem>>)
      tpu.wait_dma2 semaphore(%run_scoped3A : memref<!tpu.dma_semaphore, #tpu.memory_space<semaphore_mem>>) src(%arg7 : memref<2x16xf32, #tpu.memory_space<hbm>>) dst(%arg16 : memref<2x16xf32, #tpu.memory_space<vmem>>)
      tpu.yield
    }) : () -> ()
    %dma_start3A = arith.constant 0 : i32
    %dma_start3A_7 = arith.constant 0 : i32
    %dma_start3A_8 = arith.constant 0 : i32
    %dma_start3A_9 = tpu.memref_slice %arg11[%dma_start3A_7, %dma_start3A_8] : memref<512x64xf32, #tpu.memory_space<vmem>> -> memref<128x64xf32, #tpu.memory_space<vmem>>
    %dma_start3A_10 = arith.constant 0 : i32
    %dma_start3A_11 = tpu.memref_slice %arg9[%dma_start3A, %dma_start3A_10] : memref<4x128xi32, #tpu.memory_space<vmem>> -> memref<1x128xi32, #tpu.memory_space<vmem>>
    %dma_start3A_12 = tpu.memref_squeeze %dma_start3A_11 : memref<1x128xi32, #tpu.memory_space<vmem>> -> memref<128xi32, #tpu.memory_space<vmem>>
    %dma_start3A_13 = arith.constant 0 : i32
    %dma_start3A_14 = arith.constant 0 : i32
    %dma_start3A_15 = tpu.memref_slice %arg4[%dma_start3A_13, %dma_start3A_14] : memref<1000000x64xf32, #tpu.memory_space<hbm>> -> memref<1000000x64xf32, #tpu.memory_space<hbm>>
    tpu.enqueue_indirect_dma source(%dma_start3A_15 : memref<1000000x64xf32, #tpu.memory_space<hbm>>) target(%dma_start3A_9 : memref<128x64xf32, #tpu.memory_space<vmem>>) offsets(%dma_start3A_12 : memref<128xi32, #tpu.memory_space<vmem>>) semaphore(%arg19 : memref<!tpu.dma_semaphore, #tpu.memory_space<semaphore_mem>>)
    %dma_start3A_16 = arith.constant 0 : i32
    %dma_start3A_17 = arith.constant 0 : i32
    %dma_start3A_18 = arith.constant 0 : i32
    %dma_start3A_19 = tpu.memref_slice %arg12[%dma_start3A_17, %dma_start3A_18] : memref<512x64xf32, #tpu.memory_space<vmem>> -> memref<128x64xf32, #tpu.memory_space<vmem>>
    %dma_start3A_20 = arith.constant 0 : i32
    %dma_start3A_21 = tpu.memref_slice %arg10[%dma_start3A_16, %dma_start3A_20] : memref<4x128xi32, #tpu.memory_space<vmem>> -> memref<1x128xi32, #tpu.memory_space<vmem>>
    %dma_start3A_22 = tpu.memref_squeeze %dma_start3A_21 : memref<1x128xi32, #tpu.memory_space<vmem>> -> memref<128xi32, #tpu.memory_space<vmem>>
    %dma_start3A_23 = arith.constant 0 : i32
    %dma_start3A_24 = arith.constant 0 : i32
    %dma_start3A_25 = tpu.memref_slice %arg4[%dma_start3A_23, %dma_start3A_24] : memref<1000000x64xf32, #tpu.memory_space<hbm>> -> memref<1000000x64xf32, #tpu.memory_space<hbm>>
    tpu.enqueue_indirect_dma source(%dma_start3A_25 : memref<1000000x64xf32, #tpu.memory_space<hbm>>) target(%dma_start3A_19 : memref<128x64xf32, #tpu.memory_space<vmem>>) offsets(%dma_start3A_22 : memref<128xi32, #tpu.memory_space<vmem>>) semaphore(%arg19 : memref<!tpu.dma_semaphore, #tpu.memory_space<semaphore_mem>>)
    %dma_start3A_26 = arith.constant 0 : i32
    %dma_start3A_27 = arith.constant 0 : i32
    %dma_start3A_28 = tpu.memref_slice %arg13[%dma_start3A_27] : memref<512xf32, #tpu.memory_space<vmem>> -> memref<128xf32, #tpu.memory_space<vmem>>
    %dma_start3A_29 = arith.constant 0 : i32
    %dma_start3A_30 = tpu.memref_slice %arg9[%dma_start3A_26, %dma_start3A_29] : memref<4x128xi32, #tpu.memory_space<vmem>> -> memref<1x128xi32, #tpu.memory_space<vmem>>
    %dma_start3A_31 = tpu.memref_squeeze %dma_start3A_30 : memref<1x128xi32, #tpu.memory_space<vmem>> -> memref<128xi32, #tpu.memory_space<vmem>>
    %dma_start3A_32 = arith.constant 0 : i32
    %dma_start3A_33 = tpu.memref_slice %arg5[%dma_start3A_32] : memref<1000000xf32, #tpu.memory_space<hbm>> -> memref<1000000xf32, #tpu.memory_space<hbm>>
    tpu.enqueue_indirect_dma source(%dma_start3A_33 : memref<1000000xf32, #tpu.memory_space<hbm>>) target(%dma_start3A_28 : memref<128xf32, #tpu.memory_space<vmem>>) offsets(%dma_start3A_31 : memref<128xi32, #tpu.memory_space<vmem>>) semaphore(%arg19 : memref<!tpu.dma_semaphore, #tpu.memory_space<semaphore_mem>>)
    %dma_start3A_34 = arith.constant 0 : i32
    %dma_start3A_35 = arith.constant 0 : i32
    %dma_start3A_36 = tpu.memref_slice %arg14[%dma_start3A_35] : memref<512xf32, #tpu.memory_space<vmem>> -> memref<128xf32, #tpu.memory_space<vmem>>
    %dma_start3A_37 = arith.constant 0 : i32
    %dma_start3A_38 = tpu.memref_slice %arg10[%dma_start3A_34, %dma_start3A_37] : memref<4x128xi32, #tpu.memory_space<vmem>> -> memref<1x128xi32, #tpu.memory_space<vmem>>
    %dma_start3A_39 = tpu.memref_squeeze %dma_start3A_38 : memref<1x128xi32, #tpu.memory_space<vmem>> -> memref<128xi32, #tpu.memory_space<vmem>>
    %dma_start3A_40 = arith.constant 0 : i32
    %dma_start3A_41 = tpu.memref_slice %arg5[%dma_start3A_40] : memref<1000000xf32, #tpu.memory_space<hbm>> -> memref<1000000xf32, #tpu.memory_space<hbm>>
    tpu.enqueue_indirect_dma source(%dma_start3A_41 : memref<1000000xf32, #tpu.memory_space<hbm>>) target(%dma_start3A_36 : memref<128xf32, #tpu.memory_space<vmem>>) offsets(%dma_start3A_39 : memref<128xi32, #tpu.memory_space<vmem>>) semaphore(%arg19 : memref<!tpu.dma_semaphore, #tpu.memory_space<semaphore_mem>>)
    %dma_start3A_42 = arith.constant 1 : i32
    %dma_start3A_43 = arith.constant 128 : i32
    %dma_start3A_44 = arith.constant 0 : i32
    %dma_start3A_45 = tpu.memref_slice %arg11[%dma_start3A_43, %dma_start3A_44] : memref<512x64xf32, #tpu.memory_space<vmem>> -> memref<128x64xf32, #tpu.memory_space<vmem>>
    %dma_start3A_46 = arith.constant 0 : i32
    %dma_start3A_47 = tpu.memref_slice %arg9[%dma_start3A_42, %dma_start3A_46] : memref<4x128xi32, #tpu.memory_space<vmem>> -> memref<1x128xi32, #tpu.memory_space<vmem>>
    %dma_start3A_48 = tpu.memref_squeeze %dma_start3A_47 : memref<1x128xi32, #tpu.memory_space<vmem>> -> memref<128xi32, #tpu.memory_space<vmem>>
    %dma_start3A_49 = arith.constant 0 : i32
    %dma_start3A_50 = arith.constant 0 : i32
    %dma_start3A_51 = tpu.memref_slice %arg4[%dma_start3A_49, %dma_start3A_50] : memref<1000000x64xf32, #tpu.memory_space<hbm>> -> memref<1000000x64xf32, #tpu.memory_space<hbm>>
    tpu.enqueue_indirect_dma source(%dma_start3A_51 : memref<1000000x64xf32, #tpu.memory_space<hbm>>) target(%dma_start3A_45 : memref<128x64xf32, #tpu.memory_space<vmem>>) offsets(%dma_start3A_48 : memref<128xi32, #tpu.memory_space<vmem>>) semaphore(%arg19 : memref<!tpu.dma_semaphore, #tpu.memory_space<semaphore_mem>>)
    %dma_start3A_52 = arith.constant 1 : i32
    %dma_start3A_53 = arith.constant 128 : i32
    %dma_start3A_54 = arith.constant 0 : i32
    %dma_start3A_55 = tpu.memref_slice %arg12[%dma_start3A_53, %dma_start3A_54] : memref<512x64xf32, #tpu.memory_space<vmem>> -> memref<128x64xf32, #tpu.memory_space<vmem>>
    %dma_start3A_56 = arith.constant 0 : i32
    %dma_start3A_57 = tpu.memref_slice %arg10[%dma_start3A_52, %dma_start3A_56] : memref<4x128xi32, #tpu.memory_space<vmem>> -> memref<1x128xi32, #tpu.memory_space<vmem>>
    %dma_start3A_58 = tpu.memref_squeeze %dma_start3A_57 : memref<1x128xi32, #tpu.memory_space<vmem>> -> memref<128xi32, #tpu.memory_space<vmem>>
    %dma_start3A_59 = arith.constant 0 : i32
    %dma_start3A_60 = arith.constant 0 : i32
    %dma_start3A_61 = tpu.memref_slice %arg4[%dma_start3A_59, %dma_start3A_60] : memref<1000000x64xf32, #tpu.memory_space<hbm>> -> memref<1000000x64xf32, #tpu.memory_space<hbm>>
    tpu.enqueue_indirect_dma source(%dma_start3A_61 : memref<1000000x64xf32, #tpu.memory_space<hbm>>) target(%dma_start3A_55 : memref<128x64xf32, #tpu.memory_space<vmem>>) offsets(%dma_start3A_58 : memref<128xi32, #tpu.memory_space<vmem>>) semaphore(%arg19 : memref<!tpu.dma_semaphore, #tpu.memory_space<semaphore_mem>>)
    %dma_start3A_62 = arith.constant 1 : i32
    %dma_start3A_63 = arith.constant 128 : i32
    %dma_start3A_64 = tpu.memref_slice %arg13[%dma_start3A_63] : memref<512xf32, #tpu.memory_space<vmem>> -> memref<128xf32, #tpu.memory_space<vmem>>
    %dma_start3A_65 = arith.constant 0 : i32
    %dma_start3A_66 = tpu.memref_slice %arg9[%dma_start3A_62, %dma_start3A_65] : memref<4x128xi32, #tpu.memory_space<vmem>> -> memref<1x128xi32, #tpu.memory_space<vmem>>
    %dma_start3A_67 = tpu.memref_squeeze %dma_start3A_66 : memref<1x128xi32, #tpu.memory_space<vmem>> -> memref<128xi32, #tpu.memory_space<vmem>>
    %dma_start3A_68 = arith.constant 0 : i32
    %dma_start3A_69 = tpu.memref_slice %arg5[%dma_start3A_68] : memref<1000000xf32, #tpu.memory_space<hbm>> -> memref<1000000xf32, #tpu.memory_space<hbm>>
    tpu.enqueue_indirect_dma source(%dma_start3A_69 : memref<1000000xf32, #tpu.memory_space<hbm>>) target(%dma_start3A_64 : memref<128xf32, #tpu.memory_space<vmem>>) offsets(%dma_start3A_67 : memref<128xi32, #tpu.memory_space<vmem>>) semaphore(%arg19 : memref<!tpu.dma_semaphore, #tpu.memory_space<semaphore_mem>>)
    %dma_start3A_70 = arith.constant 1 : i32
    %dma_start3A_71 = arith.constant 128 : i32
    %dma_start3A_72 = tpu.memref_slice %arg14[%dma_start3A_71] : memref<512xf32, #tpu.memory_space<vmem>> -> memref<128xf32, #tpu.memory_space<vmem>>
    %dma_start3A_73 = arith.constant 0 : i32
    %dma_start3A_74 = tpu.memref_slice %arg10[%dma_start3A_70, %dma_start3A_73] : memref<4x128xi32, #tpu.memory_space<vmem>> -> memref<1x128xi32, #tpu.memory_space<vmem>>
    %dma_start3A_75 = tpu.memref_squeeze %dma_start3A_74 : memref<1x128xi32, #tpu.memory_space<vmem>> -> memref<128xi32, #tpu.memory_space<vmem>>
    %dma_start3A_76 = arith.constant 0 : i32
    %dma_start3A_77 = tpu.memref_slice %arg5[%dma_start3A_76] : memref<1000000xf32, #tpu.memory_space<hbm>> -> memref<1000000xf32, #tpu.memory_space<hbm>>
    tpu.enqueue_indirect_dma source(%dma_start3A_77 : memref<1000000xf32, #tpu.memory_space<hbm>>) target(%dma_start3A_72 : memref<128xf32, #tpu.memory_space<vmem>>) offsets(%dma_start3A_75 : memref<128xi32, #tpu.memory_space<vmem>>) semaphore(%arg19 : memref<!tpu.dma_semaphore, #tpu.memory_space<semaphore_mem>>)
    %dma_start3A_78 = arith.constant 2 : i32
    %dma_start3A_79 = arith.constant 256 : i32
    %dma_start3A_80 = arith.constant 0 : i32
    %dma_start3A_81 = tpu.memref_slice %arg11[%dma_start3A_79, %dma_start3A_80] : memref<512x64xf32, #tpu.memory_space<vmem>> -> memref<128x64xf32, #tpu.memory_space<vmem>>
    %dma_start3A_82 = arith.constant 0 : i32
    %dma_start3A_83 = tpu.memref_slice %arg9[%dma_start3A_78, %dma_start3A_82] : memref<4x128xi32, #tpu.memory_space<vmem>> -> memref<1x128xi32, #tpu.memory_space<vmem>>
    %dma_start3A_84 = tpu.memref_squeeze %dma_start3A_83 : memref<1x128xi32, #tpu.memory_space<vmem>> -> memref<128xi32, #tpu.memory_space<vmem>>
    %dma_start3A_85 = arith.constant 0 : i32
    %dma_start3A_86 = arith.constant 0 : i32
    %dma_start3A_87 = tpu.memref_slice %arg4[%dma_start3A_85, %dma_start3A_86] : memref<1000000x64xf32, #tpu.memory_space<hbm>> -> memref<1000000x64xf32, #tpu.memory_space<hbm>>
    tpu.enqueue_indirect_dma source(%dma_start3A_87 : memref<1000000x64xf32, #tpu.memory_space<hbm>>) target(%dma_start3A_81 : memref<128x64xf32, #tpu.memory_space<vmem>>) offsets(%dma_start3A_84 : memref<128xi32, #tpu.memory_space<vmem>>) semaphore(%arg19 : memref<!tpu.dma_semaphore, #tpu.memory_space<semaphore_mem>>)
    %dma_start3A_88 = arith.constant 2 : i32
    %dma_start3A_89 = arith.constant 256 : i32
    %dma_start3A_90 = arith.constant 0 : i32
    %dma_start3A_91 = tpu.memref_slice %arg12[%dma_start3A_89, %dma_start3A_90] : memref<512x64xf32, #tpu.memory_space<vmem>> -> memref<128x64xf32, #tpu.memory_space<vmem>>
    %dma_start3A_92 = arith.constant 0 : i32
    %dma_start3A_93 = tpu.memref_slice %arg10[%dma_start3A_88, %dma_start3A_92] : memref<4x128xi32, #tpu.memory_space<vmem>> -> memref<1x128xi32, #tpu.memory_space<vmem>>
    %dma_start3A_94 = tpu.memref_squeeze %dma_start3A_93 : memref<1x128xi32, #tpu.memory_space<vmem>> -> memref<128xi32, #tpu.memory_space<vmem>>
    %dma_start3A_95 = arith.constant 0 : i32
    %dma_start3A_96 = arith.constant 0 : i32
    %dma_start3A_97 = tpu.memref_slice %arg4[%dma_start3A_95, %dma_start3A_96] : memref<1000000x64xf32, #tpu.memory_space<hbm>> -> memref<1000000x64xf32, #tpu.memory_space<hbm>>
    tpu.enqueue_indirect_dma source(%dma_start3A_97 : memref<1000000x64xf32, #tpu.memory_space<hbm>>) target(%dma_start3A_91 : memref<128x64xf32, #tpu.memory_space<vmem>>) offsets(%dma_start3A_94 : memref<128xi32, #tpu.memory_space<vmem>>) semaphore(%arg19 : memref<!tpu.dma_semaphore, #tpu.memory_space<semaphore_mem>>)
    %dma_start3A_98 = arith.constant 2 : i32
    %dma_start3A_99 = arith.constant 256 : i32
    %dma_start3A_100 = tpu.memref_slice %arg13[%dma_start3A_99] : memref<512xf32, #tpu.memory_space<vmem>> -> memref<128xf32, #tpu.memory_space<vmem>>
    %dma_start3A_101 = arith.constant 0 : i32
    %dma_start3A_102 = tpu.memref_slice %arg9[%dma_start3A_98, %dma_start3A_101] : memref<4x128xi32, #tpu.memory_space<vmem>> -> memref<1x128xi32, #tpu.memory_space<vmem>>
    %dma_start3A_103 = tpu.memref_squeeze %dma_start3A_102 : memref<1x128xi32, #tpu.memory_space<vmem>> -> memref<128xi32, #tpu.memory_space<vmem>>
    %dma_start3A_104 = arith.constant 0 : i32
    %dma_start3A_105 = tpu.memref_slice %arg5[%dma_start3A_104] : memref<1000000xf32, #tpu.memory_space<hbm>> -> memref<1000000xf32, #tpu.memory_space<hbm>>
    tpu.enqueue_indirect_dma source(%dma_start3A_105 : memref<1000000xf32, #tpu.memory_space<hbm>>) target(%dma_start3A_100 : memref<128xf32, #tpu.memory_space<vmem>>) offsets(%dma_start3A_103 : memref<128xi32, #tpu.memory_space<vmem>>) semaphore(%arg19 : memref<!tpu.dma_semaphore, #tpu.memory_space<semaphore_mem>>)
    %dma_start3A_106 = arith.constant 2 : i32
    %dma_start3A_107 = arith.constant 256 : i32
    %dma_start3A_108 = tpu.memref_slice %arg14[%dma_start3A_107] : memref<512xf32, #tpu.memory_space<vmem>> -> memref<128xf32, #tpu.memory_space<vmem>>
    %dma_start3A_109 = arith.constant 0 : i32
    %dma_start3A_110 = tpu.memref_slice %arg10[%dma_start3A_106, %dma_start3A_109] : memref<4x128xi32, #tpu.memory_space<vmem>> -> memref<1x128xi32, #tpu.memory_space<vmem>>
    %dma_start3A_111 = tpu.memref_squeeze %dma_start3A_110 : memref<1x128xi32, #tpu.memory_space<vmem>> -> memref<128xi32, #tpu.memory_space<vmem>>
    %dma_start3A_112 = arith.constant 0 : i32
    %dma_start3A_113 = tpu.memref_slice %arg5[%dma_start3A_112] : memref<1000000xf32, #tpu.memory_space<hbm>> -> memref<1000000xf32, #tpu.memory_space<hbm>>
    tpu.enqueue_indirect_dma source(%dma_start3A_113 : memref<1000000xf32, #tpu.memory_space<hbm>>) target(%dma_start3A_108 : memref<128xf32, #tpu.memory_space<vmem>>) offsets(%dma_start3A_111 : memref<128xi32, #tpu.memory_space<vmem>>) semaphore(%arg19 : memref<!tpu.dma_semaphore, #tpu.memory_space<semaphore_mem>>)
    %dma_start3A_114 = arith.constant 3 : i32
    %dma_start3A_115 = arith.constant 384 : i32
    %dma_start3A_116 = arith.constant 0 : i32
    %dma_start3A_117 = tpu.memref_slice %arg11[%dma_start3A_115, %dma_start3A_116] : memref<512x64xf32, #tpu.memory_space<vmem>> -> memref<128x64xf32, #tpu.memory_space<vmem>>
    %dma_start3A_118 = arith.constant 0 : i32
    %dma_start3A_119 = tpu.memref_slice %arg9[%dma_start3A_114, %dma_start3A_118] : memref<4x128xi32, #tpu.memory_space<vmem>> -> memref<1x128xi32, #tpu.memory_space<vmem>>
    %dma_start3A_120 = tpu.memref_squeeze %dma_start3A_119 : memref<1x128xi32, #tpu.memory_space<vmem>> -> memref<128xi32, #tpu.memory_space<vmem>>
    %dma_start3A_121 = arith.constant 0 : i32
    %dma_start3A_122 = arith.constant 0 : i32
    %dma_start3A_123 = tpu.memref_slice %arg4[%dma_start3A_121, %dma_start3A_122] : memref<1000000x64xf32, #tpu.memory_space<hbm>> -> memref<1000000x64xf32, #tpu.memory_space<hbm>>
    tpu.enqueue_indirect_dma source(%dma_start3A_123 : memref<1000000x64xf32, #tpu.memory_space<hbm>>) target(%dma_start3A_117 : memref<128x64xf32, #tpu.memory_space<vmem>>) offsets(%dma_start3A_120 : memref<128xi32, #tpu.memory_space<vmem>>) semaphore(%arg19 : memref<!tpu.dma_semaphore, #tpu.memory_space<semaphore_mem>>)
    %dma_start3A_124 = arith.constant 3 : i32
    %dma_start3A_125 = arith.constant 384 : i32
    %dma_start3A_126 = arith.constant 0 : i32
    %dma_start3A_127 = tpu.memref_slice %arg12[%dma_start3A_125, %dma_start3A_126] : memref<512x64xf32, #tpu.memory_space<vmem>> -> memref<128x64xf32, #tpu.memory_space<vmem>>
    %dma_start3A_128 = arith.constant 0 : i32
    %dma_start3A_129 = tpu.memref_slice %arg10[%dma_start3A_124, %dma_start3A_128] : memref<4x128xi32, #tpu.memory_space<vmem>> -> memref<1x128xi32, #tpu.memory_space<vmem>>
    %dma_start3A_130 = tpu.memref_squeeze %dma_start3A_129 : memref<1x128xi32, #tpu.memory_space<vmem>> -> memref<128xi32, #tpu.memory_space<vmem>>
    %dma_start3A_131 = arith.constant 0 : i32
    %dma_start3A_132 = arith.constant 0 : i32
    %dma_start3A_133 = tpu.memref_slice %arg4[%dma_start3A_131, %dma_start3A_132] : memref<1000000x64xf32, #tpu.memory_space<hbm>> -> memref<1000000x64xf32, #tpu.memory_space<hbm>>
    tpu.enqueue_indirect_dma source(%dma_start3A_133 : memref<1000000x64xf32, #tpu.memory_space<hbm>>) target(%dma_start3A_127 : memref<128x64xf32, #tpu.memory_space<vmem>>) offsets(%dma_start3A_130 : memref<128xi32, #tpu.memory_space<vmem>>) semaphore(%arg19 : memref<!tpu.dma_semaphore, #tpu.memory_space<semaphore_mem>>)
    %dma_start3A_134 = arith.constant 3 : i32
    %dma_start3A_135 = arith.constant 384 : i32
    %dma_start3A_136 = tpu.memref_slice %arg13[%dma_start3A_135] : memref<512xf32, #tpu.memory_space<vmem>> -> memref<128xf32, #tpu.memory_space<vmem>>
    %dma_start3A_137 = arith.constant 0 : i32
    %dma_start3A_138 = tpu.memref_slice %arg9[%dma_start3A_134, %dma_start3A_137] : memref<4x128xi32, #tpu.memory_space<vmem>> -> memref<1x128xi32, #tpu.memory_space<vmem>>
    %dma_start3A_139 = tpu.memref_squeeze %dma_start3A_138 : memref<1x128xi32, #tpu.memory_space<vmem>> -> memref<128xi32, #tpu.memory_space<vmem>>
    %dma_start3A_140 = arith.constant 0 : i32
    %dma_start3A_141 = tpu.memref_slice %arg5[%dma_start3A_140] : memref<1000000xf32, #tpu.memory_space<hbm>> -> memref<1000000xf32, #tpu.memory_space<hbm>>
    tpu.enqueue_indirect_dma source(%dma_start3A_141 : memref<1000000xf32, #tpu.memory_space<hbm>>) target(%dma_start3A_136 : memref<128xf32, #tpu.memory_space<vmem>>) offsets(%dma_start3A_139 : memref<128xi32, #tpu.memory_space<vmem>>) semaphore(%arg19 : memref<!tpu.dma_semaphore, #tpu.memory_space<semaphore_mem>>)
    %dma_start3A_142 = arith.constant 3 : i32
    %dma_start3A_143 = arith.constant 384 : i32
    %dma_start3A_144 = tpu.memref_slice %arg14[%dma_start3A_143] : memref<512xf32, #tpu.memory_space<vmem>> -> memref<128xf32, #tpu.memory_space<vmem>>
    %dma_start3A_145 = arith.constant 0 : i32
    %dma_start3A_146 = tpu.memref_slice %arg10[%dma_start3A_142, %dma_start3A_145] : memref<4x128xi32, #tpu.memory_space<vmem>> -> memref<1x128xi32, #tpu.memory_space<vmem>>
    %dma_start3A_147 = tpu.memref_squeeze %dma_start3A_146 : memref<1x128xi32, #tpu.memory_space<vmem>> -> memref<128xi32, #tpu.memory_space<vmem>>
    %dma_start3A_148 = arith.constant 0 : i32
    %dma_start3A_149 = tpu.memref_slice %arg5[%dma_start3A_148] : memref<1000000xf32, #tpu.memory_space<hbm>> -> memref<1000000xf32, #tpu.memory_space<hbm>>
    tpu.enqueue_indirect_dma source(%dma_start3A_149 : memref<1000000xf32, #tpu.memory_space<hbm>>) target(%dma_start3A_144 : memref<128xf32, #tpu.memory_space<vmem>>) offsets(%dma_start3A_147 : memref<128xi32, #tpu.memory_space<vmem>>) semaphore(%arg19 : memref<!tpu.dma_semaphore, #tpu.memory_space<semaphore_mem>>)
    %dma_wait3A = arith.constant 0 : i32
    %dma_wait3A_150 = arith.constant 0 : i32
    %dma_wait3A_151 = arith.constant 0 : i32
    %dma_wait3A_152 = tpu.memref_slice %arg11[%dma_wait3A_150, %dma_wait3A_151] : memref<512x64xf32, #tpu.memory_space<vmem>> -> memref<128x64xf32, #tpu.memory_space<vmem>>
    %dma_wait3A_153 = arith.constant 0 : i32
    %dma_wait3A_154 = tpu.memref_slice %arg9[%dma_wait3A, %dma_wait3A_153] : memref<4x128xi32, #tpu.memory_space<vmem>> -> memref<1x128xi32, #tpu.memory_space<vmem>>
    %dma_wait3A_155 = tpu.memref_squeeze %dma_wait3A_154 : memref<1x128xi32, #tpu.memory_space<vmem>> -> memref<128xi32, #tpu.memory_space<vmem>>
    %dma_wait3A_156 = arith.constant 0 : i32
    %dma_wait3A_157 = arith.constant 0 : i32
    %dma_wait3A_158 = tpu.memref_slice %arg4[%dma_wait3A_156, %dma_wait3A_157] : memref<1000000x64xf32, #tpu.memory_space<hbm>> -> memref<1000000x64xf32, #tpu.memory_space<hbm>>
    tpu.wait_indirect_dma semaphore(%arg19 : memref<!tpu.dma_semaphore, #tpu.memory_space<semaphore_mem>>) src(%dma_wait3A_158 : memref<1000000x64xf32, #tpu.memory_space<hbm>>) dst(%dma_wait3A_152 : memref<128x64xf32, #tpu.memory_space<vmem>>)
    %dma_wait3A_159 = arith.constant 0 : i32
    %dma_wait3A_160 = arith.constant 0 : i32
    %dma_wait3A_161 = arith.constant 0 : i32
    %dma_wait3A_162 = tpu.memref_slice %arg12[%dma_wait3A_160, %dma_wait3A_161] : memref<512x64xf32, #tpu.memory_space<vmem>> -> memref<128x64xf32, #tpu.memory_space<vmem>>
    %dma_wait3A_163 = arith.constant 0 : i32
    %dma_wait3A_164 = tpu.memref_slice %arg10[%dma_wait3A_159, %dma_wait3A_163] : memref<4x128xi32, #tpu.memory_space<vmem>> -> memref<1x128xi32, #tpu.memory_space<vmem>>
    %dma_wait3A_165 = tpu.memref_squeeze %dma_wait3A_164 : memref<1x128xi32, #tpu.memory_space<vmem>> -> memref<128xi32, #tpu.memory_space<vmem>>
    %dma_wait3A_166 = arith.constant 0 : i32
    %dma_wait3A_167 = arith.constant 0 : i32
    %dma_wait3A_168 = tpu.memref_slice %arg4[%dma_wait3A_166, %dma_wait3A_167] : memref<1000000x64xf32, #tpu.memory_space<hbm>> -> memref<1000000x64xf32, #tpu.memory_space<hbm>>
    tpu.wait_indirect_dma semaphore(%arg19 : memref<!tpu.dma_semaphore, #tpu.memory_space<semaphore_mem>>) src(%dma_wait3A_168 : memref<1000000x64xf32, #tpu.memory_space<hbm>>) dst(%dma_wait3A_162 : memref<128x64xf32, #tpu.memory_space<vmem>>)
    %dma_wait3A_169 = arith.constant 0 : i32
    %dma_wait3A_170 = arith.constant 0 : i32
    %dma_wait3A_171 = tpu.memref_slice %arg13[%dma_wait3A_170] : memref<512xf32, #tpu.memory_space<vmem>> -> memref<128xf32, #tpu.memory_space<vmem>>
    %dma_wait3A_172 = arith.constant 0 : i32
    %dma_wait3A_173 = tpu.memref_slice %arg9[%dma_wait3A_169, %dma_wait3A_172] : memref<4x128xi32, #tpu.memory_space<vmem>> -> memref<1x128xi32, #tpu.memory_space<vmem>>
    %dma_wait3A_174 = tpu.memref_squeeze %dma_wait3A_173 : memref<1x128xi32, #tpu.memory_space<vmem>> -> memref<128xi32, #tpu.memory_space<vmem>>
    %dma_wait3A_175 = arith.constant 0 : i32
    %dma_wait3A_176 = tpu.memref_slice %arg5[%dma_wait3A_175] : memref<1000000xf32, #tpu.memory_space<hbm>> -> memref<1000000xf32, #tpu.memory_space<hbm>>
    tpu.wait_indirect_dma semaphore(%arg19 : memref<!tpu.dma_semaphore, #tpu.memory_space<semaphore_mem>>) src(%dma_wait3A_176 : memref<1000000xf32, #tpu.memory_space<hbm>>) dst(%dma_wait3A_171 : memref<128xf32, #tpu.memory_space<vmem>>)
    %dma_wait3A_177 = arith.constant 0 : i32
    %dma_wait3A_178 = arith.constant 0 : i32
    %dma_wait3A_179 = tpu.memref_slice %arg14[%dma_wait3A_178] : memref<512xf32, #tpu.memory_space<vmem>> -> memref<128xf32, #tpu.memory_space<vmem>>
    %dma_wait3A_180 = arith.constant 0 : i32
    %dma_wait3A_181 = tpu.memref_slice %arg10[%dma_wait3A_177, %dma_wait3A_180] : memref<4x128xi32, #tpu.memory_space<vmem>> -> memref<1x128xi32, #tpu.memory_space<vmem>>
    %dma_wait3A_182 = tpu.memref_squeeze %dma_wait3A_181 : memref<1x128xi32, #tpu.memory_space<vmem>> -> memref<128xi32, #tpu.memory_space<vmem>>
    %dma_wait3A_183 = arith.constant 0 : i32
    %dma_wait3A_184 = tpu.memref_slice %arg5[%dma_wait3A_183] : memref<1000000xf32, #tpu.memory_space<hbm>> -> memref<1000000xf32, #tpu.memory_space<hbm>>
    tpu.wait_indirect_dma semaphore(%arg19 : memref<!tpu.dma_semaphore, #tpu.memory_space<semaphore_mem>>) src(%dma_wait3A_184 : memref<1000000xf32, #tpu.memory_space<hbm>>) dst(%dma_wait3A_179 : memref<128xf32, #tpu.memory_space<vmem>>)
    %dma_wait3A_185 = arith.constant 1 : i32
    %dma_wait3A_186 = arith.constant 128 : i32
    %dma_wait3A_187 = arith.constant 0 : i32
    %dma_wait3A_188 = tpu.memref_slice %arg11[%dma_wait3A_186, %dma_wait3A_187] : memref<512x64xf32, #tpu.memory_space<vmem>> -> memref<128x64xf32, #tpu.memory_space<vmem>>
    %dma_wait3A_189 = arith.constant 0 : i32
    %dma_wait3A_190 = tpu.memref_slice %arg9[%dma_wait3A_185, %dma_wait3A_189] : memref<4x128xi32, #tpu.memory_space<vmem>> -> memref<1x128xi32, #tpu.memory_space<vmem>>
    %dma_wait3A_191 = tpu.memref_squeeze %dma_wait3A_190 : memref<1x128xi32, #tpu.memory_space<vmem>> -> memref<128xi32, #tpu.memory_space<vmem>>
    %dma_wait3A_192 = arith.constant 0 : i32
    %dma_wait3A_193 = arith.constant 0 : i32
    %dma_wait3A_194 = tpu.memref_slice %arg4[%dma_wait3A_192, %dma_wait3A_193] : memref<1000000x64xf32, #tpu.memory_space<hbm>> -> memref<1000000x64xf32, #tpu.memory_space<hbm>>
    tpu.wait_indirect_dma semaphore(%arg19 : memref<!tpu.dma_semaphore, #tpu.memory_space<semaphore_mem>>) src(%dma_wait3A_194 : memref<1000000x64xf32, #tpu.memory_space<hbm>>) dst(%dma_wait3A_188 : memref<128x64xf32, #tpu.memory_space<vmem>>)
    %dma_wait3A_195 = arith.constant 1 : i32
    %dma_wait3A_196 = arith.constant 128 : i32
    %dma_wait3A_197 = arith.constant 0 : i32
    %dma_wait3A_198 = tpu.memref_slice %arg12[%dma_wait3A_196, %dma_wait3A_197] : memref<512x64xf32, #tpu.memory_space<vmem>> -> memref<128x64xf32, #tpu.memory_space<vmem>>
    %dma_wait3A_199 = arith.constant 0 : i32
    %dma_wait3A_200 = tpu.memref_slice %arg10[%dma_wait3A_195, %dma_wait3A_199] : memref<4x128xi32, #tpu.memory_space<vmem>> -> memref<1x128xi32, #tpu.memory_space<vmem>>
    %dma_wait3A_201 = tpu.memref_squeeze %dma_wait3A_200 : memref<1x128xi32, #tpu.memory_space<vmem>> -> memref<128xi32, #tpu.memory_space<vmem>>
    %dma_wait3A_202 = arith.constant 0 : i32
    %dma_wait3A_203 = arith.constant 0 : i32
    %dma_wait3A_204 = tpu.memref_slice %arg4[%dma_wait3A_202, %dma_wait3A_203] : memref<1000000x64xf32, #tpu.memory_space<hbm>> -> memref<1000000x64xf32, #tpu.memory_space<hbm>>
    tpu.wait_indirect_dma semaphore(%arg19 : memref<!tpu.dma_semaphore, #tpu.memory_space<semaphore_mem>>) src(%dma_wait3A_204 : memref<1000000x64xf32, #tpu.memory_space<hbm>>) dst(%dma_wait3A_198 : memref<128x64xf32, #tpu.memory_space<vmem>>)
    %dma_wait3A_205 = arith.constant 1 : i32
    %dma_wait3A_206 = arith.constant 128 : i32
    %dma_wait3A_207 = tpu.memref_slice %arg13[%dma_wait3A_206] : memref<512xf32, #tpu.memory_space<vmem>> -> memref<128xf32, #tpu.memory_space<vmem>>
    %dma_wait3A_208 = arith.constant 0 : i32
    %dma_wait3A_209 = tpu.memref_slice %arg9[%dma_wait3A_205, %dma_wait3A_208] : memref<4x128xi32, #tpu.memory_space<vmem>> -> memref<1x128xi32, #tpu.memory_space<vmem>>
    %dma_wait3A_210 = tpu.memref_squeeze %dma_wait3A_209 : memref<1x128xi32, #tpu.memory_space<vmem>> -> memref<128xi32, #tpu.memory_space<vmem>>
    %dma_wait3A_211 = arith.constant 0 : i32
    %dma_wait3A_212 = tpu.memref_slice %arg5[%dma_wait3A_211] : memref<1000000xf32, #tpu.memory_space<hbm>> -> memref<1000000xf32, #tpu.memory_space<hbm>>
    tpu.wait_indirect_dma semaphore(%arg19 : memref<!tpu.dma_semaphore, #tpu.memory_space<semaphore_mem>>) src(%dma_wait3A_212 : memref<1000000xf32, #tpu.memory_space<hbm>>) dst(%dma_wait3A_207 : memref<128xf32, #tpu.memory_space<vmem>>)
    %dma_wait3A_213 = arith.constant 1 : i32
    %dma_wait3A_214 = arith.constant 128 : i32
    %dma_wait3A_215 = tpu.memref_slice %arg14[%dma_wait3A_214] : memref<512xf32, #tpu.memory_space<vmem>> -> memref<128xf32, #tpu.memory_space<vmem>>
    %dma_wait3A_216 = arith.constant 0 : i32
    %dma_wait3A_217 = tpu.memref_slice %arg10[%dma_wait3A_213, %dma_wait3A_216] : memref<4x128xi32, #tpu.memory_space<vmem>> -> memref<1x128xi32, #tpu.memory_space<vmem>>
    %dma_wait3A_218 = tpu.memref_squeeze %dma_wait3A_217 : memref<1x128xi32, #tpu.memory_space<vmem>> -> memref<128xi32, #tpu.memory_space<vmem>>
    %dma_wait3A_219 = arith.constant 0 : i32
    %dma_wait3A_220 = tpu.memref_slice %arg5[%dma_wait3A_219] : memref<1000000xf32, #tpu.memory_space<hbm>> -> memref<1000000xf32, #tpu.memory_space<hbm>>
    tpu.wait_indirect_dma semaphore(%arg19 : memref<!tpu.dma_semaphore, #tpu.memory_space<semaphore_mem>>) src(%dma_wait3A_220 : memref<1000000xf32, #tpu.memory_space<hbm>>) dst(%dma_wait3A_215 : memref<128xf32, #tpu.memory_space<vmem>>)
    %dma_wait3A_221 = arith.constant 2 : i32
    %dma_wait3A_222 = arith.constant 256 : i32
    %dma_wait3A_223 = arith.constant 0 : i32
    %dma_wait3A_224 = tpu.memref_slice %arg11[%dma_wait3A_222, %dma_wait3A_223] : memref<512x64xf32, #tpu.memory_space<vmem>> -> memref<128x64xf32, #tpu.memory_space<vmem>>
    %dma_wait3A_225 = arith.constant 0 : i32
    %dma_wait3A_226 = tpu.memref_slice %arg9[%dma_wait3A_221, %dma_wait3A_225] : memref<4x128xi32, #tpu.memory_space<vmem>> -> memref<1x128xi32, #tpu.memory_space<vmem>>
    %dma_wait3A_227 = tpu.memref_squeeze %dma_wait3A_226 : memref<1x128xi32, #tpu.memory_space<vmem>> -> memref<128xi32, #tpu.memory_space<vmem>>
    %dma_wait3A_228 = arith.constant 0 : i32
    %dma_wait3A_229 = arith.constant 0 : i32
    %dma_wait3A_230 = tpu.memref_slice %arg4[%dma_wait3A_228, %dma_wait3A_229] : memref<1000000x64xf32, #tpu.memory_space<hbm>> -> memref<1000000x64xf32, #tpu.memory_space<hbm>>
    tpu.wait_indirect_dma semaphore(%arg19 : memref<!tpu.dma_semaphore, #tpu.memory_space<semaphore_mem>>) src(%dma_wait3A_230 : memref<1000000x64xf32, #tpu.memory_space<hbm>>) dst(%dma_wait3A_224 : memref<128x64xf32, #tpu.memory_space<vmem>>)
    %dma_wait3A_231 = arith.constant 2 : i32
    %dma_wait3A_232 = arith.constant 256 : i32
    %dma_wait3A_233 = arith.constant 0 : i32
    %dma_wait3A_234 = tpu.memref_slice %arg12[%dma_wait3A_232, %dma_wait3A_233] : memref<512x64xf32, #tpu.memory_space<vmem>> -> memref<128x64xf32, #tpu.memory_space<vmem>>
    %dma_wait3A_235 = arith.constant 0 : i32
    %dma_wait3A_236 = tpu.memref_slice %arg10[%dma_wait3A_231, %dma_wait3A_235] : memref<4x128xi32, #tpu.memory_space<vmem>> -> memref<1x128xi32, #tpu.memory_space<vmem>>
    %dma_wait3A_237 = tpu.memref_squeeze %dma_wait3A_236 : memref<1x128xi32, #tpu.memory_space<vmem>> -> memref<128xi32, #tpu.memory_space<vmem>>
    %dma_wait3A_238 = arith.constant 0 : i32
    %dma_wait3A_239 = arith.constant 0 : i32
    %dma_wait3A_240 = tpu.memref_slice %arg4[%dma_wait3A_238, %dma_wait3A_239] : memref<1000000x64xf32, #tpu.memory_space<hbm>> -> memref<1000000x64xf32, #tpu.memory_space<hbm>>
    tpu.wait_indirect_dma semaphore(%arg19 : memref<!tpu.dma_semaphore, #tpu.memory_space<semaphore_mem>>) src(%dma_wait3A_240 : memref<1000000x64xf32, #tpu.memory_space<hbm>>) dst(%dma_wait3A_234 : memref<128x64xf32, #tpu.memory_space<vmem>>)
    %dma_wait3A_241 = arith.constant 2 : i32
    %dma_wait3A_242 = arith.constant 256 : i32
    %dma_wait3A_243 = tpu.memref_slice %arg13[%dma_wait3A_242] : memref<512xf32, #tpu.memory_space<vmem>> -> memref<128xf32, #tpu.memory_space<vmem>>
    %dma_wait3A_244 = arith.constant 0 : i32
    %dma_wait3A_245 = tpu.memref_slice %arg9[%dma_wait3A_241, %dma_wait3A_244] : memref<4x128xi32, #tpu.memory_space<vmem>> -> memref<1x128xi32, #tpu.memory_space<vmem>>
    %dma_wait3A_246 = tpu.memref_squeeze %dma_wait3A_245 : memref<1x128xi32, #tpu.memory_space<vmem>> -> memref<128xi32, #tpu.memory_space<vmem>>
    %dma_wait3A_247 = arith.constant 0 : i32
    %dma_wait3A_248 = tpu.memref_slice %arg5[%dma_wait3A_247] : memref<1000000xf32, #tpu.memory_space<hbm>> -> memref<1000000xf32, #tpu.memory_space<hbm>>
    tpu.wait_indirect_dma semaphore(%arg19 : memref<!tpu.dma_semaphore, #tpu.memory_space<semaphore_mem>>) src(%dma_wait3A_248 : memref<1000000xf32, #tpu.memory_space<hbm>>) dst(%dma_wait3A_243 : memref<128xf32, #tpu.memory_space<vmem>>)
    %dma_wait3A_249 = arith.constant 2 : i32
    %dma_wait3A_250 = arith.constant 256 : i32
    %dma_wait3A_251 = tpu.memref_slice %arg14[%dma_wait3A_250] : memref<512xf32, #tpu.memory_space<vmem>> -> memref<128xf32, #tpu.memory_space<vmem>>
    %dma_wait3A_252 = arith.constant 0 : i32
    %dma_wait3A_253 = tpu.memref_slice %arg10[%dma_wait3A_249, %dma_wait3A_252] : memref<4x128xi32, #tpu.memory_space<vmem>> -> memref<1x128xi32, #tpu.memory_space<vmem>>
    %dma_wait3A_254 = tpu.memref_squeeze %dma_wait3A_253 : memref<1x128xi32, #tpu.memory_space<vmem>> -> memref<128xi32, #tpu.memory_space<vmem>>
    %dma_wait3A_255 = arith.constant 0 : i32
    %dma_wait3A_256 = tpu.memref_slice %arg5[%dma_wait3A_255] : memref<1000000xf32, #tpu.memory_space<hbm>> -> memref<1000000xf32, #tpu.memory_space<hbm>>
    tpu.wait_indirect_dma semaphore(%arg19 : memref<!tpu.dma_semaphore, #tpu.memory_space<semaphore_mem>>) src(%dma_wait3A_256 : memref<1000000xf32, #tpu.memory_space<hbm>>) dst(%dma_wait3A_251 : memref<128xf32, #tpu.memory_space<vmem>>)
    %dma_wait3A_257 = arith.constant 3 : i32
    %dma_wait3A_258 = arith.constant 384 : i32
    %dma_wait3A_259 = arith.constant 0 : i32
    %dma_wait3A_260 = tpu.memref_slice %arg11[%dma_wait3A_258, %dma_wait3A_259] : memref<512x64xf32, #tpu.memory_space<vmem>> -> memref<128x64xf32, #tpu.memory_space<vmem>>
    %dma_wait3A_261 = arith.constant 0 : i32
    %dma_wait3A_262 = tpu.memref_slice %arg9[%dma_wait3A_257, %dma_wait3A_261] : memref<4x128xi32, #tpu.memory_space<vmem>> -> memref<1x128xi32, #tpu.memory_space<vmem>>
    %dma_wait3A_263 = tpu.memref_squeeze %dma_wait3A_262 : memref<1x128xi32, #tpu.memory_space<vmem>> -> memref<128xi32, #tpu.memory_space<vmem>>
    %dma_wait3A_264 = arith.constant 0 : i32
    %dma_wait3A_265 = arith.constant 0 : i32
    %dma_wait3A_266 = tpu.memref_slice %arg4[%dma_wait3A_264, %dma_wait3A_265] : memref<1000000x64xf32, #tpu.memory_space<hbm>> -> memref<1000000x64xf32, #tpu.memory_space<hbm>>
    tpu.wait_indirect_dma semaphore(%arg19 : memref<!tpu.dma_semaphore, #tpu.memory_space<semaphore_mem>>) src(%dma_wait3A_266 : memref<1000000x64xf32, #tpu.memory_space<hbm>>) dst(%dma_wait3A_260 : memref<128x64xf32, #tpu.memory_space<vmem>>)
    %dma_wait3A_267 = arith.constant 3 : i32
    %dma_wait3A_268 = arith.constant 384 : i32
    %dma_wait3A_269 = arith.constant 0 : i32
    %dma_wait3A_270 = tpu.memref_slice %arg12[%dma_wait3A_268, %dma_wait3A_269] : memref<512x64xf32, #tpu.memory_space<vmem>> -> memref<128x64xf32, #tpu.memory_space<vmem>>
    %dma_wait3A_271 = arith.constant 0 : i32
    %dma_wait3A_272 = tpu.memref_slice %arg10[%dma_wait3A_267, %dma_wait3A_271] : memref<4x128xi32, #tpu.memory_space<vmem>> -> memref<1x128xi32, #tpu.memory_space<vmem>>
    %dma_wait3A_273 = tpu.memref_squeeze %dma_wait3A_272 : memref<1x128xi32, #tpu.memory_space<vmem>> -> memref<128xi32, #tpu.memory_space<vmem>>
    %dma_wait3A_274 = arith.constant 0 : i32
    %dma_wait3A_275 = arith.constant 0 : i32
    %dma_wait3A_276 = tpu.memref_slice %arg4[%dma_wait3A_274, %dma_wait3A_275] : memref<1000000x64xf32, #tpu.memory_space<hbm>> -> memref<1000000x64xf32, #tpu.memory_space<hbm>>
    tpu.wait_indirect_dma semaphore(%arg19 : memref<!tpu.dma_semaphore, #tpu.memory_space<semaphore_mem>>) src(%dma_wait3A_276 : memref<1000000x64xf32, #tpu.memory_space<hbm>>) dst(%dma_wait3A_270 : memref<128x64xf32, #tpu.memory_space<vmem>>)
    %dma_wait3A_277 = arith.constant 3 : i32
    %dma_wait3A_278 = arith.constant 384 : i32
    %dma_wait3A_279 = tpu.memref_slice %arg13[%dma_wait3A_278] : memref<512xf32, #tpu.memory_space<vmem>> -> memref<128xf32, #tpu.memory_space<vmem>>
    %dma_wait3A_280 = arith.constant 0 : i32
    %dma_wait3A_281 = tpu.memref_slice %arg9[%dma_wait3A_277, %dma_wait3A_280] : memref<4x128xi32, #tpu.memory_space<vmem>> -> memref<1x128xi32, #tpu.memory_space<vmem>>
    %dma_wait3A_282 = tpu.memref_squeeze %dma_wait3A_281 : memref<1x128xi32, #tpu.memory_space<vmem>> -> memref<128xi32, #tpu.memory_space<vmem>>
    %dma_wait3A_283 = arith.constant 0 : i32
    %dma_wait3A_284 = tpu.memref_slice %arg5[%dma_wait3A_283] : memref<1000000xf32, #tpu.memory_space<hbm>> -> memref<1000000xf32, #tpu.memory_space<hbm>>
    tpu.wait_indirect_dma semaphore(%arg19 : memref<!tpu.dma_semaphore, #tpu.memory_space<semaphore_mem>>) src(%dma_wait3A_284 : memref<1000000xf32, #tpu.memory_space<hbm>>) dst(%dma_wait3A_279 : memref<128xf32, #tpu.memory_space<vmem>>)
    %dma_wait3A_285 = arith.constant 3 : i32
    %dma_wait3A_286 = arith.constant 384 : i32
    %dma_wait3A_287 = tpu.memref_slice %arg14[%dma_wait3A_286] : memref<512xf32, #tpu.memory_space<vmem>> -> memref<128xf32, #tpu.memory_space<vmem>>
    %dma_wait3A_288 = arith.constant 0 : i32
    %dma_wait3A_289 = tpu.memref_slice %arg10[%dma_wait3A_285, %dma_wait3A_288] : memref<4x128xi32, #tpu.memory_space<vmem>> -> memref<1x128xi32, #tpu.memory_space<vmem>>
    %dma_wait3A_290 = tpu.memref_squeeze %dma_wait3A_289 : memref<1x128xi32, #tpu.memory_space<vmem>> -> memref<128xi32, #tpu.memory_space<vmem>>
    %dma_wait3A_291 = arith.constant 0 : i32
    %dma_wait3A_292 = tpu.memref_slice %arg5[%dma_wait3A_291] : memref<1000000xf32, #tpu.memory_space<hbm>> -> memref<1000000xf32, #tpu.memory_space<hbm>>
    tpu.wait_indirect_dma semaphore(%arg19 : memref<!tpu.dma_semaphore, #tpu.memory_space<semaphore_mem>>) src(%dma_wait3A_292 : memref<1000000xf32, #tpu.memory_space<hbm>>) dst(%dma_wait3A_287 : memref<128xf32, #tpu.memory_space<vmem>>)
    %get3A = arith.constant 0 : index
    %get3A_293 = tpu.vector_load %arg15[%get3A] {strides = array<i32>} : memref<64xf32, #tpu.memory_space<vmem>>, vector<16xf32>,
    %get3A_294 = arith.constant 16 : index
    %get3A_295 = tpu.vector_load %arg15[%get3A_294] {strides = array<i32>} : memref<64xf32, #tpu.memory_space<vmem>>, vector<16xf32>,
    %get3A_296 = arith.constant 32 : index
    %get3A_297 = tpu.vector_load %arg15[%get3A_296] {strides = array<i32>} : memref<64xf32, #tpu.memory_space<vmem>>, vector<16xf32>,
    %get3A_298 = arith.constant 48 : index
    %get3A_299 = tpu.vector_load %arg15[%get3A_298] {strides = array<i32>} : memref<64xf32, #tpu.memory_space<vmem>>, vector<16xf32>,
    %iota3A = tpu.iota {dimensions = array<i32: 0>} : vector<16xi32>
    %get3A_300 = arith.constant 0 : i32
    %get3A_301 = arith.index_cast %get3A_300 : i32 to index
    %get3A_302 = arith.constant 0 : index
    %get3A_303 = tpu.vector_load %arg16[%get3A_301, %get3A_302] {strides = array<i32>} : memref<2x16xf32, #tpu.memory_space<vmem>>, vector<16xf32>,
    %get3A_304 = arith.constant 1 : i32
    %get3A_305 = arith.index_cast %get3A_304 : i32 to index
    %get3A_306 = arith.constant 0 : index
    %get3A_307 = tpu.vector_load %arg16[%get3A_305, %get3A_306] {strides = array<i32>} : memref<2x16xf32, #tpu.memory_space<vmem>>, vector<16xf32>,
    %scan3A = arith.constant 0 : i32
    %scan3A_308 = arith.constant 0 : i32
    %scan3A_309 = arith.constant 128 : i32
    %scan3A_310 = arith.addi %scan3A_308, %scan3A_309 : i32
    %scan3A_311 = arith.constant 1 : i32
    scf.for %scan3A_319 = %scan3A_308 to %scan3A_310 step %scan3A_311  : i32 {
      %mul3A_320 = arith.constant 4 : i32
      %mul3A_321 = arith.muli %scan3A_319, %mul3A_320 : i32
      %add3A_322 = arith.constant 0 : i32
      %add3A_323 = arith.addi %mul3A_321, %add3A_322 : i32
      %get3A_324 = arith.index_cast %add3A_323 : i32 to index
      %get3A_325 = arith.constant 0 : index
      %get3A_326 = tpu.vector_load %arg11[%get3A_324, %get3A_325] {strides = array<i32>} : memref<512x64xf32, #tpu.memory_space<vmem>>, vector<16xf32>,
      %get3A_327 = arith.index_cast %add3A_323 : i32 to index
      %get3A_328 = arith.constant 0 : index
      %get3A_329 = tpu.vector_load %arg12[%get3A_327, %get3A_328] {strides = array<i32>} : memref<512x64xf32, #tpu.memory_space<vmem>>, vector<16xf32>,
      %mul3A_330 = arith.mulf %get3A_326, %get3A_329 : vector<16xf32>
      %mul3A_331 = arith.mulf %mul3A_330, %get3A_293 : vector<16xf32>
      %get3A_332 = arith.index_cast %add3A_323 : i32 to index
      %get3A_333 = arith.constant 16 : index
      %get3A_334 = tpu.vector_load %arg11[%get3A_332, %get3A_333] {strides = array<i32>} : memref<512x64xf32, #tpu.memory_space<vmem>>, vector<16xf32>,
      %get3A_335 = arith.index_cast %add3A_323 : i32 to index
      %get3A_336 = arith.constant 16 : index
      %get3A_337 = tpu.vector_load %arg12[%get3A_335, %get3A_336] {strides = array<i32>} : memref<512x64xf32, #tpu.memory_space<vmem>>, vector<16xf32>,
      %mul3A_338 = arith.mulf %get3A_334, %get3A_337 : vector<16xf32>
      %mul3A_339 = arith.mulf %mul3A_338, %get3A_295 : vector<16xf32>
      %add3A_340 = arith.addf %mul3A_331, %mul3A_339 : vector<16xf32>
      %get3A_341 = arith.index_cast %add3A_323 : i32 to index
      %get3A_342 = arith.constant 32 : index
      %get3A_343 = tpu.vector_load %arg11[%get3A_341, %get3A_342] {strides = array<i32>} : memref<512x64xf32, #tpu.memory_space<vmem>>, vector<16xf32>,
      %get3A_344 = arith.index_cast %add3A_323 : i32 to index
      %get3A_345 = arith.constant 32 : index
      %get3A_346 = tpu.vector_load %arg12[%get3A_344, %get3A_345] {strides = array<i32>} : memref<512x64xf32, #tpu.memory_space<vmem>>, vector<16xf32>,
      %mul3A_347 = arith.mulf %get3A_343, %get3A_346 : vector<16xf32>
      %mul3A_348 = arith.mulf %mul3A_347, %get3A_297 : vector<16xf32>
      %add3A_349 = arith.addf %add3A_340, %mul3A_348 : vector<16xf32>
      %get3A_350 = arith.index_cast %add3A_323 : i32 to index
      %get3A_351 = arith.constant 48 : index
      %get3A_352 = tpu.vector_load %arg11[%get3A_350, %get3A_351] {strides = array<i32>} : memref<512x64xf32, #tpu.memory_space<vmem>>, vector<16xf32>,
      %get3A_353 = arith.index_cast %add3A_323 : i32 to index
      %get3A_354 = arith.constant 48 : index
      %get3A_355 = tpu.vector_load %arg12[%get3A_353, %get3A_354] {strides = array<i32>} : memref<512x64xf32, #tpu.memory_space<vmem>>, vector<16xf32>,
      %mul3A_356 = arith.mulf %get3A_352, %get3A_355 : vector<16xf32>
      %mul3A_357 = arith.mulf %mul3A_356, %get3A_299 : vector<16xf32>
      %add3A_358 = arith.addf %add3A_349, %mul3A_357 : vector<16xf32>
      %swap3A = arith.index_cast %add3A_323 : i32 to index
      %swap3A_359 = arith.constant 0 : index
      %swap3A_360 = tpu.vector_load %arg17[%swap3A, %swap3A_359] {strides = array<i32>} : memref<512x17xf32, #tpu.memory_space<vmem>>, vector<16xf32>,
      tpu.vector_store %arg17[%swap3A, %swap3A_359], %add3A_358 {strides = array<i32>} : memref<512x17xf32, #tpu.memory_space<vmem>>, vector<16xf32>,
      %mul3A_361 = arith.constant 4 : i32
      %mul3A_362 = arith.muli %scan3A_319, %mul3A_361 : i32
      %add3A_363 = arith.constant 1 : i32
      %add3A_364 = arith.addi %mul3A_362, %add3A_363 : i32
      %get3A_365 = arith.index_cast %add3A_364 : i32 to index
      %get3A_366 = arith.constant 0 : index
      %get3A_367 = tpu.vector_load %arg11[%get3A_365, %get3A_366] {strides = array<i32>} : memref<512x64xf32, #tpu.memory_space<vmem>>, vector<16xf32>,
      %get3A_368 = arith.index_cast %add3A_364 : i32 to index
      %get3A_369 = arith.constant 0 : index
      %get3A_370 = tpu.vector_load %arg12[%get3A_368, %get3A_369] {strides = array<i32>} : memref<512x64xf32, #tpu.memory_space<vmem>>, vector<16xf32>,
      %mul3A_371 = arith.mulf %get3A_367, %get3A_370 : vector<16xf32>
      %mul3A_372 = arith.mulf %mul3A_371, %get3A_293 : vector<16xf32>
      %get3A_373 = arith.index_cast %add3A_364 : i32 to index
      %get3A_374 = arith.constant 16 : index
      %get3A_375 = tpu.vector_load %arg11[%get3A_373, %get3A_374] {strides = array<i32>} : memref<512x64xf32, #tpu.memory_space<vmem>>, vector<16xf32>,
      %get3A_376 = arith.index_cast %add3A_364 : i32 to index
      %get3A_377 = arith.constant 16 : index
      %get3A_378 = tpu.vector_load %arg12[%get3A_376, %get3A_377] {strides = array<i32>} : memref<512x64xf32, #tpu.memory_space<vmem>>, vector<16xf32>,
      %mul3A_379 = arith.mulf %get3A_375, %get3A_378 : vector<16xf32>
      %mul3A_380 = arith.mulf %mul3A_379, %get3A_295 : vector<16xf32>
      %add3A_381 = arith.addf %mul3A_372, %mul3A_380 : vector<16xf32>
      %get3A_382 = arith.index_cast %add3A_364 : i32 to index
      %get3A_383 = arith.constant 32 : index
      %get3A_384 = tpu.vector_load %arg11[%get3A_382, %get3A_383] {strides = array<i32>} : memref<512x64xf32, #tpu.memory_space<vmem>>, vector<16xf32>,
      %get3A_385 = arith.index_cast %add3A_364 : i32 to index
      %get3A_386 = arith.constant 32 : index
      %get3A_387 = tpu.vector_load %arg12[%get3A_385, %get3A_386] {strides = array<i32>} : memref<512x64xf32, #tpu.memory_space<vmem>>, vector<16xf32>,
      %mul3A_388 = arith.mulf %get3A_384, %get3A_387 : vector<16xf32>
      %mul3A_389 = arith.mulf %mul3A_388, %get3A_297 : vector<16xf32>
      %add3A_390 = arith.addf %add3A_381, %mul3A_389 : vector<16xf32>
      %get3A_391 = arith.index_cast %add3A_364 : i32 to index
      %get3A_392 = arith.constant 48 : index
      %get3A_393 = tpu.vector_load %arg11[%get3A_391, %get3A_392] {strides = array<i32>} : memref<512x64xf32, #tpu.memory_space<vmem>>, vector<16xf32>,
      %get3A_394 = arith.index_cast %add3A_364 : i32 to index
      %get3A_395 = arith.constant 48 : index
      %get3A_396 = tpu.vector_load %arg12[%get3A_394, %get3A_395] {strides = array<i32>} : memref<512x64xf32, #tpu.memory_space<vmem>>, vector<16xf32>,
      %mul3A_397 = arith.mulf %get3A_393, %get3A_396 : vector<16xf32>
      %mul3A_398 = arith.mulf %mul3A_397, %get3A_299 : vector<16xf32>
      %add3A_399 = arith.addf %add3A_390, %mul3A_398 : vector<16xf32>
      %swap3A_400 = arith.index_cast %add3A_364 : i32 to index
      %swap3A_401 = arith.constant 0 : index
      %swap3A_402 = tpu.vector_load %arg17[%swap3A_400, %swap3A_401] {strides = array<i32>} : memref<512x17xf32, #tpu.memory_space<vmem>>, vector<16xf32>,
      tpu.vector_store %arg17[%swap3A_400, %swap3A_401], %add3A_399 {strides = array<i32>} : memref<512x17xf32, #tpu.memory_space<vmem>>, vector<16xf32>,
      %mul3A_403 = arith.constant 4 : i32
      %mul3A_404 = arith.muli %scan3A_319, %mul3A_403 : i32
      %add3A_405 = arith.constant 2 : i32
      %add3A_406 = arith.addi %mul3A_404, %add3A_405 : i32
      %get3A_407 = arith.index_cast %add3A_406 : i32 to index
      %get3A_408 = arith.constant 0 : index
      %get3A_409 = tpu.vector_load %arg11[%get3A_407, %get3A_408] {strides = array<i32>} : memref<512x64xf32, #tpu.memory_space<vmem>>, vector<16xf32>,
      %get3A_410 = arith.index_cast %add3A_406 : i32 to index
      %get3A_411 = arith.constant 0 : index
      %get3A_412 = tpu.vector_load %arg12[%get3A_410, %get3A_411] {strides = array<i32>} : memref<512x64xf32, #tpu.memory_space<vmem>>, vector<16xf32>,
      %mul3A_413 = arith.mulf %get3A_409, %get3A_412 : vector<16xf32>
      %mul3A_414 = arith.mulf %mul3A_413, %get3A_293 : vector<16xf32>
      %get3A_415 = arith.index_cast %add3A_406 : i32 to index
      %get3A_416 = arith.constant 16 : index
      %get3A_417 = tpu.vector_load %arg11[%get3A_415, %get3A_416] {strides = array<i32>} : memref<512x64xf32, #tpu.memory_space<vmem>>, vector<16xf32>,
      %get3A_418 = arith.index_cast %add3A_406 : i32 to index
      %get3A_419 = arith.constant 16 : index
      %get3A_420 = tpu.vector_load %arg12[%get3A_418, %get3A_419] {strides = array<i32>} : memref<512x64xf32, #tpu.memory_space<vmem>>, vector<16xf32>,
      %mul3A_421 = arith.mulf %get3A_417, %get3A_420 : vector<16xf32>
      %mul3A_422 = arith.mulf %mul3A_421, %get3A_295 : vector<16xf32>
      %add3A_423 = arith.addf %mul3A_414, %mul3A_422 : vector<16xf32>
      %get3A_424 = arith.index_cast %add3A_406 : i32 to index
      %get3A_425 = arith.constant 32 : index
      %get3A_426 = tpu.vector_load %arg11[%get3A_424, %get3A_425] {strides = array<i32>} : memref<512x64xf32, #tpu.memory_space<vmem>>, vector<16xf32>,
      %get3A_427 = arith.index_cast %add3A_406 : i32 to index
      %get3A_428 = arith.constant 32 : index
      %get3A_429 = tpu.vector_load %arg12[%get3A_427, %get3A_428] {strides = array<i32>} : memref<512x64xf32, #tpu.memory_space<vmem>>, vector<16xf32>,
      %mul3A_430 = arith.mulf %get3A_426, %get3A_429 : vector<16xf32>
      %mul3A_431 = arith.mulf %mul3A_430, %get3A_297 : vector<16xf32>
      %add3A_432 = arith.addf %add3A_423, %mul3A_431 : vector<16xf32>
      %get3A_433 = arith.index_cast %add3A_406 : i32 to index
      %get3A_434 = arith.constant 48 : index
      %get3A_435 = tpu.vector_load %arg11[%get3A_433, %get3A_434] {strides = array<i32>} : memref<512x64xf32, #tpu.memory_space<vmem>>, vector<16xf32>,
      %get3A_436 = arith.index_cast %add3A_406 : i32 to index
      %get3A_437 = arith.constant 48 : index
      %get3A_438 = tpu.vector_load %arg12[%get3A_436, %get3A_437] {strides = array<i32>} : memref<512x64xf32, #tpu.memory_space<vmem>>, vector<16xf32>,
      %mul3A_439 = arith.mulf %get3A_435, %get3A_438 : vector<16xf32>
      %mul3A_440 = arith.mulf %mul3A_439, %get3A_299 : vector<16xf32>
      %add3A_441 = arith.addf %add3A_432, %mul3A_440 : vector<16xf32>
      %swap3A_442 = arith.index_cast %add3A_406 : i32 to index
      %swap3A_443 = arith.constant 0 : index
      %swap3A_444 = tpu.vector_load %arg17[%swap3A_442, %swap3A_443] {strides = array<i32>} : memref<512x17xf32, #tpu.memory_space<vmem>>, vector<16xf32>,
      tpu.vector_store %arg17[%swap3A_442, %swap3A_443], %add3A_441 {strides = array<i32>} : memref<512x17xf32, #tpu.memory_space<vmem>>, vector<16xf32>,
      %mul3A_445 = arith.constant 4 : i32
      %mul3A_446 = arith.muli %scan3A_319, %mul3A_445 : i32
      %add3A_447 = arith.constant 3 : i32
      %add3A_448 = arith.addi %mul3A_446, %add3A_447 : i32
      %get3A_449 = arith.index_cast %add3A_448 : i32 to index
      %get3A_450 = arith.constant 0 : index
      %get3A_451 = tpu.vector_load %arg11[%get3A_449, %get3A_450] {strides = array<i32>} : memref<512x64xf32, #tpu.memory_space<vmem>>, vector<16xf32>,
      %get3A_452 = arith.index_cast %add3A_448 : i32 to index
      %get3A_453 = arith.constant 0 : index
      %get3A_454 = tpu.vector_load %arg12[%get3A_452, %get3A_453] {strides = array<i32>} : memref<512x64xf32, #tpu.memory_space<vmem>>, vector<16xf32>,
      %mul3A_455 = arith.mulf %get3A_451, %get3A_454 : vector<16xf32>
      %mul3A_456 = arith.mulf %mul3A_455, %get3A_293 : vector<16xf32>
      %get3A_457 = arith.index_cast %add3A_448 : i32 to index
      %get3A_458 = arith.constant 16 : index
      %get3A_459 = tpu.vector_load %arg11[%get3A_457, %get3A_458] {strides = array<i32>} : memref<512x64xf32, #tpu.memory_space<vmem>>, vector<16xf32>,
      %get3A_460 = arith.index_cast %add3A_448 : i32 to index
      %get3A_461 = arith.constant 16 : index
      %get3A_462 = tpu.vector_load %arg12[%get3A_460, %get3A_461] {strides = array<i32>} : memref<512x64xf32, #tpu.memory_space<vmem>>, vector<16xf32>,
      %mul3A_463 = arith.mulf %get3A_459, %get3A_462 : vector<16xf32>
      %mul3A_464 = arith.mulf %mul3A_463, %get3A_295 : vector<16xf32>
      %add3A_465 = arith.addf %mul3A_456, %mul3A_464 : vector<16xf32>
      %get3A_466 = arith.index_cast %add3A_448 : i32 to index
      %get3A_467 = arith.constant 32 : index
      %get3A_468 = tpu.vector_load %arg11[%get3A_466, %get3A_467] {strides = array<i32>} : memref<512x64xf32, #tpu.memory_space<vmem>>, vector<16xf32>,
      %get3A_469 = arith.index_cast %add3A_448 : i32 to index
      %get3A_470 = arith.constant 32 : index
      %get3A_471 = tpu.vector_load %arg12[%get3A_469, %get3A_470] {strides = array<i32>} : memref<512x64xf32, #tpu.memory_space<vmem>>, vector<16xf32>,
      %mul3A_472 = arith.mulf %get3A_468, %get3A_471 : vector<16xf32>
      %mul3A_473 = arith.mulf %mul3A_472, %get3A_297 : vector<16xf32>
      %add3A_474 = arith.addf %add3A_465, %mul3A_473 : vector<16xf32>
      %get3A_475 = arith.index_cast %add3A_448 : i32 to index
      %get3A_476 = arith.constant 48 : index
      %get3A_477 = tpu.vector_load %arg11[%get3A_475, %get3A_476] {strides = array<i32>} : memref<512x64xf32, #tpu.memory_space<vmem>>, vector<16xf32>,
      %get3A_478 = arith.index_cast %add3A_448 : i32 to index
      %get3A_479 = arith.constant 48 : index
      %get3A_480 = tpu.vector_load %arg12[%get3A_478, %get3A_479] {strides = array<i32>} : memref<512x64xf32, #tpu.memory_space<vmem>>, vector<16xf32>,
      %mul3A_481 = arith.mulf %get3A_477, %get3A_480 : vector<16xf32>
      %mul3A_482 = arith.mulf %mul3A_481, %get3A_299 : vector<16xf32>
      %add3A_483 = arith.addf %add3A_474, %mul3A_482 : vector<16xf32>
      %swap3A_484 = arith.index_cast %add3A_448 : i32 to index
      %swap3A_485 = arith.constant 0 : index
      %swap3A_486 = tpu.vector_load %arg17[%swap3A_484, %swap3A_485] {strides = array<i32>} : memref<512x17xf32, #tpu.memory_space<vmem>>, vector<16xf32>,
      tpu.vector_store %arg17[%swap3A_484, %swap3A_485], %add3A_483 {strides = array<i32>} : memref<512x17xf32, #tpu.memory_space<vmem>>, vector<16xf32>,
    }
    %scan3A_312 = arith.constant 128 : i32
    %scan3A_313 = arith.constant 0 : i32
    %scan3A_314 = arith.constant 0 : i32
    %scan3A_315 = arith.constant 32 : i32
    %scan3A_316 = arith.addi %scan3A_314, %scan3A_315 : i32
    %scan3A_317 = arith.constant 1 : i32
    scf.for %scan3A_319 = %scan3A_314 to %scan3A_316 step %scan3A_317  : i32 {
      %mul3A_320 = arith.constant 16 : i32
      %mul3A_321 = arith.muli %scan3A_319, %mul3A_320 : i32
      %add3A_322 = vector.broadcast %mul3A_321 : i32 to vector<16xi32>
      %add3A_323 = arith.addi %iota3A, %add3A_322 : vector<16xi32>
      %broadcast_in_dim3A = arith.constant 0 : i32
      %broadcast_in_dim3A_324 = vector.broadcast %broadcast_in_dim3A : i32 to vector<16xi32>
      %gather3A = tpu.vector_load_idx %arg17[%add3A_323, %broadcast_in_dim3A_324] : memref<512x17xf32, #tpu.memory_space<vmem>>[vector<16xi32>, vector<16xi32>], vector<16xf32>,
      %broadcast_in_dim3A_325 = arith.constant 1 : i32
      %broadcast_in_dim3A_326 = vector.broadcast %broadcast_in_dim3A_325 : i32 to vector<16xi32>
      %gather3A_327 = tpu.vector_load_idx %arg17[%add3A_323, %broadcast_in_dim3A_326] : memref<512x17xf32, #tpu.memory_space<vmem>>[vector<16xi32>, vector<16xi32>], vector<16xf32>,
      %add3A_328 = arith.addf %gather3A, %gather3A_327 : vector<16xf32>
      %broadcast_in_dim3A_329 = arith.constant 2 : i32
      %broadcast_in_dim3A_330 = vector.broadcast %broadcast_in_dim3A_329 : i32 to vector<16xi32>
      %gather3A_331 = tpu.vector_load_idx %arg17[%add3A_323, %broadcast_in_dim3A_330] : memref<512x17xf32, #tpu.memory_space<vmem>>[vector<16xi32>, vector<16xi32>], vector<16xf32>,
      %add3A_332 = arith.addf %add3A_328, %gather3A_331 : vector<16xf32>
      %broadcast_in_dim3A_333 = arith.constant 3 : i32
      %broadcast_in_dim3A_334 = vector.broadcast %broadcast_in_dim3A_333 : i32 to vector<16xi32>
      %gather3A_335 = tpu.vector_load_idx %arg17[%add3A_323, %broadcast_in_dim3A_334] : memref<512x17xf32, #tpu.memory_space<vmem>>[vector<16xi32>, vector<16xi32>], vector<16xf32>,
      %add3A_336 = arith.addf %add3A_332, %gather3A_335 : vector<16xf32>
      %broadcast_in_dim3A_337 = arith.constant 4 : i32
      %broadcast_in_dim3A_338 = vector.broadcast %broadcast_in_dim3A_337 : i32 to vector<16xi32>
      %gather3A_339 = tpu.vector_load_idx %arg17[%add3A_323, %broadcast_in_dim3A_338] : memref<512x17xf32, #tpu.memory_space<vmem>>[vector<16xi32>, vector<16xi32>], vector<16xf32>,
      %add3A_340 = arith.addf %add3A_336, %gather3A_339 : vector<16xf32>
      %broadcast_in_dim3A_341 = arith.constant 5 : i32
      %broadcast_in_dim3A_342 = vector.broadcast %broadcast_in_dim3A_341 : i32 to vector<16xi32>
      %gather3A_343 = tpu.vector_load_idx %arg17[%add3A_323, %broadcast_in_dim3A_342] : memref<512x17xf32, #tpu.memory_space<vmem>>[vector<16xi32>, vector<16xi32>], vector<16xf32>,
      %add3A_344 = arith.addf %add3A_340, %gather3A_343 : vector<16xf32>
      %broadcast_in_dim3A_345 = arith.constant 6 : i32
      %broadcast_in_dim3A_346 = vector.broadcast %broadcast_in_dim3A_345 : i32 to vector<16xi32>
      %gather3A_347 = tpu.vector_load_idx %arg17[%add3A_323, %broadcast_in_dim3A_346] : memref<512x17xf32, #tpu.memory_space<vmem>>[vector<16xi32>, vector<16xi32>], vector<16xf32>,
      %add3A_348 = arith.addf %add3A_344, %gather3A_347 : vector<16xf32>
      %broadcast_in_dim3A_349 = arith.constant 7 : i32
      %broadcast_in_dim3A_350 = vector.broadcast %broadcast_in_dim3A_349 : i32 to vector<16xi32>
      %gather3A_351 = tpu.vector_load_idx %arg17[%add3A_323, %broadcast_in_dim3A_350] : memref<512x17xf32, #tpu.memory_space<vmem>>[vector<16xi32>, vector<16xi32>], vector<16xf32>,
      %add3A_352 = arith.addf %add3A_348, %gather3A_351 : vector<16xf32>
      %broadcast_in_dim3A_353 = arith.constant 8 : i32
      %broadcast_in_dim3A_354 = vector.broadcast %broadcast_in_dim3A_353 : i32 to vector<16xi32>
      %gather3A_355 = tpu.vector_load_idx %arg17[%add3A_323, %broadcast_in_dim3A_354] : memref<512x17xf32, #tpu.memory_space<vmem>>[vector<16xi32>, vector<16xi32>], vector<16xf32>,
      %add3A_356 = arith.addf %add3A_352, %gather3A_355 : vector<16xf32>
      %broadcast_in_dim3A_357 = arith.constant 9 : i32
      %broadcast_in_dim3A_358 = vector.broadcast %broadcast_in_dim3A_357 : i32 to vector<16xi32>
      %gather3A_359 = tpu.vector_load_idx %arg17[%add3A_323, %broadcast_in_dim3A_358] : memref<512x17xf32, #tpu.memory_space<vmem>>[vector<16xi32>, vector<16xi32>], vector<16xf32>,
      %add3A_360 = arith.addf %add3A_356, %gather3A_359 : vector<16xf32>
      %broadcast_in_dim3A_361 = arith.constant 10 : i32
      %broadcast_in_dim3A_362 = vector.broadcast %broadcast_in_dim3A_361 : i32 to vector<16xi32>
      %gather3A_363 = tpu.vector_load_idx %arg17[%add3A_323, %broadcast_in_dim3A_362] : memref<512x17xf32, #tpu.memory_space<vmem>>[vector<16xi32>, vector<16xi32>], vector<16xf32>,
      %add3A_364 = arith.addf %add3A_360, %gather3A_363 : vector<16xf32>
      %broadcast_in_dim3A_365 = arith.constant 11 : i32
      %broadcast_in_dim3A_366 = vector.broadcast %broadcast_in_dim3A_365 : i32 to vector<16xi32>
      %gather3A_367 = tpu.vector_load_idx %arg17[%add3A_323, %broadcast_in_dim3A_366] : memref<512x17xf32, #tpu.memory_space<vmem>>[vector<16xi32>, vector<16xi32>], vector<16xf32>,
      %add3A_368 = arith.addf %add3A_364, %gather3A_367 : vector<16xf32>
      %broadcast_in_dim3A_369 = arith.constant 12 : i32
      %broadcast_in_dim3A_370 = vector.broadcast %broadcast_in_dim3A_369 : i32 to vector<16xi32>
      %gather3A_371 = tpu.vector_load_idx %arg17[%add3A_323, %broadcast_in_dim3A_370] : memref<512x17xf32, #tpu.memory_space<vmem>>[vector<16xi32>, vector<16xi32>], vector<16xf32>,
      %add3A_372 = arith.addf %add3A_368, %gather3A_371 : vector<16xf32>
      %broadcast_in_dim3A_373 = arith.constant 13 : i32
      %broadcast_in_dim3A_374 = vector.broadcast %broadcast_in_dim3A_373 : i32 to vector<16xi32>
      %gather3A_375 = tpu.vector_load_idx %arg17[%add3A_323, %broadcast_in_dim3A_374] : memref<512x17xf32, #tpu.memory_space<vmem>>[vector<16xi32>, vector<16xi32>], vector<16xf32>,
      %add3A_376 = arith.addf %add3A_372, %gather3A_375 : vector<16xf32>
      %broadcast_in_dim3A_377 = arith.constant 14 : i32
      %broadcast_in_dim3A_378 = vector.broadcast %broadcast_in_dim3A_377 : i32 to vector<16xi32>
      %gather3A_379 = tpu.vector_load_idx %arg17[%add3A_323, %broadcast_in_dim3A_378] : memref<512x17xf32, #tpu.memory_space<vmem>>[vector<16xi32>, vector<16xi32>], vector<16xf32>,
      %add3A_380 = arith.addf %add3A_376, %gather3A_379 : vector<16xf32>
      %broadcast_in_dim3A_381 = arith.constant 15 : i32
      %broadcast_in_dim3A_382 = vector.broadcast %broadcast_in_dim3A_381 : i32 to vector<16xi32>
      %gather3A_383 = tpu.vector_load_idx %arg17[%add3A_323, %broadcast_in_dim3A_382] : memref<512x17xf32, #tpu.memory_space<vmem>>[vector<16xi32>, vector<16xi32>], vector<16xf32>,
      %add3A_384 = arith.addf %add3A_380, %gather3A_383 : vector<16xf32>
      %mul3A_385 = arith.constant 16 : i32
      %mul3A_386 = arith.muli %scan3A_319, %mul3A_385 : i32
      %get3A_387 = arith.index_cast %mul3A_386 : i32 to index
      %get3A_388 = tpu.vector_load %arg13[%get3A_387] {strides = array<i32>} : memref<512xf32, #tpu.memory_space<vmem>>, vector<16xf32>,
      %mul3A_389 = arith.constant 16 : i32
      %mul3A_390 = arith.muli %scan3A_319, %mul3A_389 : i32
      %get3A_391 = arith.index_cast %mul3A_390 : i32 to index
      %get3A_392 = tpu.vector_load %arg14[%get3A_391] {strides = array<i32>} : memref<512xf32, #tpu.memory_space<vmem>>, vector<16xf32>,
      %add3A_393 = arith.addf %get3A_388, %get3A_392 : vector<16xf32>
      %mul3A_394 = arith.mulf %add3A_393, %get3A_303 : vector<16xf32>
      %add3A_395 = arith.addf %mul3A_394, %get3A_307 : vector<16xf32>
      %add3A_396 = arith.addf %add3A_395, %add3A_384 : vector<16xf32>
      %neg3A = arith.constant 0.000000e+00 : f32
      %neg3A_397 = vector.broadcast %neg3A : f32 to vector<16xf32>
      %neg3A_398 = arith.subf %neg3A_397, %add3A_396 : vector<16xf32>
      %exp3A = math.exp %neg3A_398 : vector<16xf32>
      %add3A_399 = arith.constant 1.000000e+00 : f32
      %add3A_400 = vector.broadcast %add3A_399 : f32 to vector<16xf32>
      %add3A_401 = arith.addf %add3A_400, %exp3A : vector<16xf32>
      %div3A = arith.constant 1.000000e+00 : f32
      %div3A_402 = vector.broadcast %div3A : f32 to vector<16xf32>
      %div3A_403 = arith.divf %div3A_402, %add3A_401 : vector<16xf32>
      %mul3A_404 = arith.constant 16 : i32
      %mul3A_405 = arith.muli %scan3A_319, %mul3A_404 : i32
      %swap3A = arith.index_cast %mul3A_405 : i32 to index
      %swap3A_406 = tpu.vector_load %arg18[%swap3A] {strides = array<i32>} : memref<512xf32, #tpu.memory_space<vmem>>, vector<16xf32>,
      tpu.vector_store %arg18[%swap3A], %div3A_403 {strides = array<i32>} : memref<512xf32, #tpu.memory_space<vmem>>, vector<16xf32>,
    }
    %scan3A_318 = arith.constant 32 : i32
    "tpu.region"() ({
      %run_scoped3A = tpu.sem_alloc : memref<!tpu.dma_semaphore, #tpu.memory_space<semaphore_mem>>
      %dma_start3A_319 = tpu.memref_slice %arg8[%mul3A_2] : memref<16384xf32, #tpu.memory_space<hbm>> -> memref<512xf32, #tpu.memory_space<hbm>>
      %dma_start3A_320 = tpu.memref_slice %arg8[%mul3A_2] : memref<16384xf32, #tpu.memory_space<hbm>> -> memref<512xf32, #tpu.memory_space<hbm>>
      tpu.enqueue_dma source(%arg18 : memref<512xf32, #tpu.memory_space<vmem>>) target(%dma_start3A_320 : memref<512xf32, #tpu.memory_space<hbm>>) target_semaphore(%run_scoped3A : memref<!tpu.dma_semaphore, #tpu.memory_space<semaphore_mem>>)
      %dma_wait3A_321 = tpu.memref_slice %arg8[%mul3A_2] : memref<16384xf32, #tpu.memory_space<hbm>> -> memref<512xf32, #tpu.memory_space<hbm>>
      %dma_wait3A_322 = tpu.memref_slice %arg8[%mul3A_2] : memref<16384xf32, #tpu.memory_space<hbm>> -> memref<512xf32, #tpu.memory_space<hbm>>
      tpu.wait_dma2 semaphore(%run_scoped3A : memref<!tpu.dma_semaphore, #tpu.memory_space<semaphore_mem>>) src(%arg18 : memref<512xf32, #tpu.memory_space<vmem>>) dst(%dma_wait3A_322 : memref<512xf32, #tpu.memory_space<hbm>>)
      tpu.yield
    }) : () -> ()
    return
  }
}

</mosaic_0001>

<sc_bundles>
// kernel: kernel.3.cloned.1.call-start
scs
__scs_entry_jumppad:
0x0: {  	(pc) =	sbr.rel $0x88, $3  }
0x1: {  	(tag) =	ssettag $0x0;
	lr =	simm.s32 $0x1  }
0x2: {  	[smem:$0x3F9B] =	sst lr;
	_ =	strace $0xD0000000  }
0x3: {  	_ = 	snop  }
0x4: {  	_ = 	snop  }
0x5: {  	_ = 	snop  }
0x6: {  	_ = 	snop  }
0x7: {  	_ = 	snop  }
__scs_overlays_trampoline_lowered:
0x8: {  	[smem:$0x3FAA] =	sst s0  }
0x9: {  	[smem:$0x3FAB] =	sst s1  }
0xa: {  	[smem:$0x3FAC] =	sst s2  }
0xb: {  	[smem:$0x3FAD] =	sst s3  }
0xc: {  	[smem:$0x3FAE] =	sst s4  }
0xd: {  	[smem:$0x3FAF] =	sst s5  }
0xe: {  	[smem:$0x3FB0] =	sst s6  }
0xf: {  	[smem:$0x3FB1] =	sst s7  }
0x10: {  	[smem:$0x3FB2] =	sst s8  }
0x11: {  	[smem:$0x3FB3] =	sst s9;
	s0 =	simm.s32 @!p0 $0x0  }
0x12: {  	s1 =	sld [smem:$0x3F99];
	s0 =	simm.s32 @p0 $0x1  }
0x13: {  	[smem:$0x3FB4] =	sst s0;
	s0 =	simm.s32 @!p1 $0x0  }
0x14: {  	s2 =	sld [smem:$0x3F98];
	s0 =	simm.s32 @p1 $0x1  }
0x15: {  	[smem:$0x3FB5] =	sst s0;
	s0 =	simm.s32 @!p2 $0x0  }
0x16: {  	s3 =	sld [smem:$0x3FDB];
	s0 =	simm.s32 @p2 $0x1  }
0x17: {  	s4 =	simm.s32 $0x1BF5;
	[smem:$0x3FB7] =	sst s0  }
0x18: {  	s0 =	sld [smem:$0x3F9A];
	_ =	swait.ge [sflag:s4], $0x0  }
0x19: {  	s7 =	sld [smem:$0x3F9B]  }
0x1a: {  	s8 =	sadd.s32 $0xFFFFE003, lr  }
0x1b: {  	s9 =	sadd.s32 $0xFFFFFEF7, lr;
	s5 =	simm.s32 $0xFFFFFFFF;
	p2 =	slt.u32 s8, $0xFFFFF086  }
0x1c: {  	p1 =	slt.u32 s9, $0xF7A;
	s5 =	simm.s32 @!p2 $0x0  }
0x1d: {  	s5 =	simm.s32 @p1 $0x1;
	p0 =	seq.s32 s7, s2  }
0x1e: {  	s7 =	smul.u32 @!p0 $0xF7A, s2;
	p2 =	seq.s32 @!p0 s5, $0x0  }
0x1f: {  	s9 =	smul.u32 $0xF7A, s1;
	s8 =	simm.s32 @!p0 $0x1BF5;
	p2 =	por !p2, p0  }
0x20: {  	[sflag:s8] =	ssyncset.s32 @!p0 $0xFFFFF086;
	s6 =	sadd.s32 @!p0 s3, s7;
	s7 =	simm.s32 @!p0 $0x108  }
0x21: {  	s3 =	sadd.s32 s3, s9;
	s6 =	sadd.s32 @!p0 $0x88, s6;
	s7 =	simm.s32 @p2 $0x1082  }
0x22: {  	[simem:s7], [sflag:s8] =	dma.local @!p0 [hbm:s6], $0xF7A  }
0x23: {  	s9 =	sor.u32 $0xD0000000, s2;
	s6 =	simm.s32 $0x108;
	_ =	swait.ge @!p0 [sflag:s8], $0x0  }
0x24: {  	s3 =	sadd.s32 $0x88, s3;
	s6 =	simm.s32 @!p1 $0x1082;
	[sflag:s4] =	ssyncset.s32 $0xFFFFF086  }
0x25: {  	[simem:s6], [sflag:s4] =	dma.local [hbm:s3], $0xF7A  }
0x26: {  	[smem:$0x3F9B] =	sst s1;
	(tag) =	ssettag s2;
	_ =	strace s9  }
0x27: {  	s1 =	sld [smem:$0x3FAB]  }
0x28: {  	s2 =	sld [smem:$0x3FAC]  }
0x29: {  	s4 =	sld [smem:$0x3FAE]  }
0x2a: {  	p0 =	seq.s32 s5, $0x0;
	s5 =	sld [smem:$0x3FAF]  }
0x2b: {  	s6 =	sld [smem:$0x3FB0]  }
0x2c: {  	s7 =	sld [smem:$0x3FB1]  }
0x2d: {  	s3 =	simm.s32 $0x108;
	s8 =	sld [smem:$0x3FB2]  }
0x2e: {  	s3 =	simm.s32 @!p0 $0x1082;
	s9 =	sld [smem:$0x3FB3]  }
0x2f: {  	lr =	sadd.s32 s0, s3;
	s0 =	sld [smem:$0x3FAA]  }
0x30: {  	s3 =	sld [smem:$0x3FAD]  }
0x31: {  	[smem:$0x3FB6] =	sst s10  }
0x32: {  	s10 =	sld [smem:$0x3FB4];
	_ =	sdelay $0x3  }
0x33: {  	p0 =	seq.s32 s10, $0x1;
	s10 =	sld [smem:$0x3FB6];
	_ =	sdelay $0x3  }
0x34: {  	[smem:$0x3FB6] =	sst s10  }
0x35: {  	s10 =	sld [smem:$0x3FB5];
	_ =	sdelay $0x3  }
0x36: {  	p1 =	seq.s32 s10, $0x1;
	s10 =	sld [smem:$0x3FB6];
	_ =	sdelay $0x3  }
0x37: {  	[smem:$0x3FB6] =	sst s10  }
0x38: {  	s10 =	sld [smem:$0x3FB7]  }
0x39: {  	_ = 	snop;
	(pc) =	sbr.ind lr, $3  }
0x3a: {  	_ = 	snop  }
0x3b: {  	_ = 	snop  }
0x3c: {  	p2 =	seq.s32 s10, $0x1;
	s10 =	sld [smem:$0x3FB6]  }
0x3d: {  	_ =	shalt  }
0x3e: {  	_ =	shalt  }
0x3f: {  	_ =	shalt  }
0x40: {  	_ =	shalt  }
0x41: {  	_ =	shalt  }
0x42: {  	_ =	shalt  }
0x43: {  	_ =	shalt  }
0x44: {  	_ =	shalt  }
0x45: {  	_ =	shalt  }
0x46: {  	_ =	shalt  }
0x47: {  	_ =	shalt  }
0x48: {  	_ =	shalt  }
0x49: {  	_ =	shalt  }
0x4a: {  	_ =	shalt  }
0x4b: {  	_ =	shalt  }
0x4c: {  	_ =	shalt  }
0x4d: {  	_ =	shalt  }
0x4e: {  	_ =	shalt  }
0x4f: {  	_ =	shalt  }
0x50: {  	_ =	shalt  }
0x51: {  	_ =	shalt  }
0x52: {  	_ =	shalt  }
0x53: {  	_ =	shalt  }
0x54: {  	_ =	shalt  }
0x55: {  	_ =	shalt  }
0x56: {  	_ =	shalt  }
0x57: {  	_ =	shalt  }
0x58: {  	_ =	shalt  }
0x59: {  	_ =	shalt  }
0x5a: {  	_ =	shalt  }
0x5b: {  	_ =	shalt  }
0x5c: {  	_ =	shalt  }
0x5d: {  	_ =	shalt  }
0x5e: {  	_ =	shalt  }
0x5f: {  	_ =	shalt  }
0x60: {  	_ =	shalt  }
0x61: {  	_ =	shalt  }
0x62: {  	_ =	shalt  }
0x63: {  	_ =	shalt  }
0x64: {  	_ =	shalt  }
0x65: {  	_ =	shalt  }
0x66: {  	_ =	shalt  }
0x67: {  	_ =	shalt  }
0x68: {  	_ =	shalt  }
0x69: {  	_ =	shalt  }
0x6a: {  	_ =	shalt  }
0x6b: {  	_ =	shalt  }
0x6c: {  	_ =	shalt  }
0x6d: {  	_ =	shalt  }
0x6e: {  	_ =	shalt  }
0x6f: {  	_ =	shalt  }
0x70: {  	_ =	shalt  }
0x71: {  	_ =	shalt  }
0x72: {  	_ =	shalt  }
0x73: {  	_ =	shalt  }
0x74: {  	_ =	shalt  }
0x75: {  	_ =	shalt  }
0x76: {  	_ =	shalt  }
0x77: {  	_ =	shalt  }
0x78: {  	_ =	shalt  }
0x79: {  	_ =	shalt  }
0x7a: {  	_ =	shalt  }
0x7b: {  	_ =	shalt  }
0x7c: {  	_ =	shalt  }
0x7d: {  	_ =	shalt  }
0x7e: {  	_ =	shalt  }
0x7f: {  	_ =	shalt  }
0x80: {  	_ =	shalt  }
0x81: {  	_ =	shalt  }
0x82: {  	_ =	shalt  }
0x83: {  	_ =	shalt  }
0x84: {  	_ =	shalt  }
0x85: {  	_ =	shalt  }
0x86: {  	_ =	shalt  }
0x87: {  	_ =	shalt  }
.Lfunc_end0:
.L_simem_size_0:
called_computation_lowered:
.L_overlay_start_0:
0x88: {  	s2 =	sld [smem:$0x3FD9]  }
0x89: {  	s3 =	sld [smem:$0x3FFE];
	_ =	sdelay $0x1  }
0x8a: {  	s1 =	srdreg.scid  }
0x8b: {  	s0 =	sand.u32 $0x1, s1  }
0x8c: {  	s17 =	sshll.u32 s0, $0xA;
	s2 =	sadd.s32 s3, s2  }
0x8d: {  	s2 =	sadd.s32 s2, s17  }
0x8e: {  	[smem:$0x3FC2] =	sst s2  }
0x8f: {  	_ = 	snop  }
0x90: {  	s2 =	sld [smem:$0x3FC9]  }
0x91: {  	s18 =	sld [smem:$0x3FC8]  }
0x92: {  	s4 =	sld [smem:$0x3FD0];
	(tm) =	ssettm $0x1  }
0x93: {  	s5 =	sld [smem:$0x3FFB];
	_ =	sdelay $0x3  }
0x94: {  	_ =	strace s5  }
0x95: {  	s5 =	sld [smem:$0x3FFC];
	_ =	sdelay $0x3  }
0x96: {  	_ =	strace s5  }
0x97: {  	s5 =	sld [smem:$0x3FFD];
	_ =	sdelay $0x3  }
0x98: {  	_ =	strace s5  }
0x99: {  	_ =	strace $0x8FFFFFFF  }
0x9a: {  	s19 =	sld [smem:$0x3FDB];
	_ =	sdelay $0x1  }
0x9b: {  	s6 =	simm.s32 $_scs_section_size  }
0x9c: {  	s7 =	simm.s32 $_size__tile_overlayer_lowered;
	s8 =	simm.s32 $_tile_overlayer_lowered  }
0x9d: {  	s22 =	simm.s32 $0x1BFF;
	s21 =	sshll.u32 s8, $0x1;
	s5 =	sadd.s32 s6, s19  }
0x9e: {  	s9 =	simm.s32 $0x0;
	s20 =	sshll.u32 s7, $0x1;
	s7 =	sadd.s32 s21, s5  }
0x9f: {  	[timem:s9], [sflag:s22] =	dma.local [hbm:s7], s20  }
0xa0: {  	_ =	swait.ge [sflag:s22], s20  }
0xa1: {  	s6 =	ssub.s32 $0x0, s20;
	[sflag:s22] =	ssyncset.done $0x0  }
0xa2: {  	[sflag:s22] =	ssyncadd.s32 s6;
	_ =	sdelay $0x1  }
0xa3: {  	s23 =	simm.s32 $0x1B8B  }
0xa4: {  	_ =	swait.ge [sflag:s23], $0x1  }
0xa5: {  	[sflag:s23] =	ssyncset.done $0x0  }
0xa6: {  	s25 =	simm.s32 $0x1B8E;
	s24 =	sld [smem:$0x3FFE];
	[sflag:s23] =	ssyncadd.s32 $0xFFFFFFFF  }
0xa7: {  	s26 =	simm.s32 $execute0_lowered;
	[smem:$0x3FD2] =	sst s25  }
0xa8: {  	s7 =	sshll.u32 s26, $0x1;
	_ =	strace $0x80000046;
	[dreg:$0x1] =	wrdreg $0xFFFFFFFF  }
0xa9: {  	s28 =	simm.s32 $_size_execute0_lowered;
	s5 =	sadd.s32 s5, s7;
	[dreg:$0x0] =	wrdreg $0x0  }
0xaa: {  	s7 =	sshll.u32 s28, $0x1;
	[dreg:$0x2] =	wrdreg s5  }
0xab: {  	[dreg:$0x3] =	wrdreg s7  }
0xac: {  	[dreg:$0x4] =	wrdreg $0xC0  }
0xad: {  	_ =	task [dreg:s9], $0x5FFFF  }
0xae: {  	[dreg:$0x1] =	wrdreg $0xFFFFFFFF  }
0xaf: {  	[dreg:$0x0] =	wrdreg $0x60  }
0xb0: {  	[dreg:$0x2] =	wrdreg s2  }
0xb1: {  	[dreg:$0x3] =	wrdreg s18  }
0xb2: {  	[dreg:$0x4] =	wrdreg s24  }
0xb3: {  	[dreg:$0x5] =	wrdreg s4  }
0xb4: {  	[dreg:$0x6] =	wrdreg $0x9  }
0xb5: {  	_ =	task.clear_ibuf [dreg:s9], $0x7FFFF;
	_ =	strace $0x90000046  }
0xb6: {  	s29 =	simm.s32 $0x9;
	_ =	strace $0x80000048  }
0xb7: {  	_ =	swait.ge [sflag:s29], $0x1  }
0xb8: {  	[sflag:s29] =	ssyncadd.s32 $0xFFFFFFFF  }
0xb9: {  	_ =	strace $0x90000048  }
0xba: {  	_ =	sfence  }
0xbb: {  	s30 =	sld [smem:$0x0];
	_ =	sdelay $0x2  }
0xbc: {  	s31 =	sshll.u32 s1, $0xD;
	s1 =	sshrl.u32 s1, $0x2  }
0xbd: {  	s3 =	sand.u32 $0x4000, s31;
	s1 =	sadd.s32 s1, s30  }
0xbe: {  	s0 =	sor.u32 s3, s0;
	s1 =	sshll.u32 s1, $0x11  }
0xbf: {  	s0 =	sor.u32 s1, s0  }
0xc0: {  	s0 =	sadd.s32 $0x8F2B, s0  }
0xc1: {  	[sflag:s0] =	ssyncadd.remote.s32 $0x1  }
0xc2: {  	_ =	sfence.sel $0xFFFF  }
0xc3: {  	[dreg:$0x0] =	wrdreg $0xFFFFFFFF;
	(pc) =	sbr.abs _section_cstart, $3  }
0xc4: {  	[dreg:$0x1] =	wrdreg $0xFFFFFFFF  }
0xc5: {  	_ =	task.clear_ibuf [dreg:s9], $0x2FFFF;
	_ =	strace $0x9FFFFFFF  }
0xc6: {  	(tm) =	ssettm $0x7FFFFFFF  }
0xc7: {  	_ =	shalt  }
tec
execute0_lowered:
.L_overlay_start_1:
0x0: {  	(tag) =	ssettag $0x1  }
0x1: {  	s0 =	rddreg [dreg:$0x0]  }
0x2: {  	s2 =	rddreg [dreg:$0x1]  }
0x3: {  	s6 =	rddreg [dreg:$0x2]  }
0x4: {  	s9 =	rddreg [dreg:$0x3];
	s1 =	simm.s32 $0x0  }
0x5: {  	s5 =	srdreg.scid;
	s8 =	stileid.u32;
	s12 =	simm.s32 $0x200  }
0x6: {  	s15 =	simm.s32 $0x80;
	s21 =	simm.s32 $0x280;
	s25 =	simm.s32 $0x100  }
0x7: {  	s28 =	simm.s32 $0x300;
	s31 =	simm.s32 $0x10700;
	s13 =	simm.s32 $0x380  }
0x8: {  	s14 =	simm.s32 $0xE400;
	s16 =	simm.s32 $0x10580;
	s17 =	simm.s32 $0x10780  }
0x9: {  	v0 =	vlaneseq.u32;
	s18 =	simm.s32 $0x1;
	s19 =	simm.s32 $0x10860;
	s20 =	simm.s32 $0x13860  }
0xa: {  	s22 =	simm.s32 $0x0;
	[smem:$0x7FF] =	sst s1;
	s3 =	sadd.s32 $0xF42800, s6;
	v0 =	vmul.u32 $0x18, v0  }
0xb: {  	s4 =	sadd.s32 $0x800, s6;
	s5 =	sand.u32 $0x1, s5;
	s8 =	sshll.u32 s8, $0x7  }
0xc: {  	_ =	strace $0x80000047;
	s7 =	ssub.s32 $0x2, s5;
	s10 =	sshll.u32 s5, $0x6;
	v1 =	vor.u32 $0x1, v0;
	v2 =	vor.u32 $0x2, v0;
	v3 =	vor.u32 $0x3, v0  }
0xd: {  	s5 =	sadd.s32 $0x400, s6;
	s11 =	sshrl.u32 s7, $0x1;
	s10 =	sor.u32 s10, s8;
	v4 =	vor.u32 $0x4, v0;
	v5 =	vor.u32 $0x5, v0;
	v6 =	vor.u32 $0x6, v0  }
0xe: {  	s6 =	sadd.s32 $0x600, s6;
	v7 =	vor.u32 $0x7, v0;
	v8 =	vadd.s32 $0x8, v0;
	v9 =	vadd.s32 $0x9, v0;
	s11 =	ssub.s32 s7, s11;
	s7 =	sadd.s32 s0, s10  }
0xf: {  	v10 =	vadd.s32 $0xA, v0;
	v11 =	vadd.s32 $0xB, v0;
	v12 =	vadd.s32 $0xC, v0;
	s8 =	sadd.s32 s2, s10;
	s9 =	sadd.s32 s9, s10;
	s0 =	simm.s32 $0x180  }
0x10: {  	v13 =	vadd.s32 $0xD, v0;
	v14 =	vadd.s32 $0xE, v0;
	v15 =	vadd.s32 $0xF, v0;
	s2 =	simm.s32 $0x6400;
	s10 =	smax.u32 s11, $0x1;
	s11 =	simm.s32 $0x2  }
.LBB2_1:
0x11: {  	[tilespmem:s1], [sflag:$0x2] =	stream.linear.gather [hbm4b:s7+s1], $0x200, $0x38;
	[tilespmem:$0x13A60] =	vst v63  }
0x12: {  	_ =	swait.ge [sflag:s11], $0x200  }
0x13: {  	[sflag:s11] =	ssyncset.done $0x0  }
0x14: {  	[sflag:s11] =	ssyncadd.s32 $0xFFFFFE00  }
0x15: {  	[tilespmem:s12], [sflag:$0x2] =	stream.linear.gather [hbm4b:s8+s1], $0x200, $0x38;
	[tilespmem:$0x13A60] =	vst v63  }
0x16: {  	_ =	swait.ge [sflag:s11], $0x200  }
0x17: {  	[sflag:s11] =	ssyncset.done $0x0  }
0x18: {  	s23 =	simm.s32 $0x10800;
	[sflag:s11] =	ssyncadd.s32 $0xFFFFFE00  }
0x19: {  	[tilespmem:s23], [sflag:$0x2] =	stream.linear.gather [hbm4b:s5+s1], $0x40, $0x38;
	[tilespmem:$0x13A60] =	vst v63  }
0x1a: {  	_ =	swait.ge [sflag:s11], $0x40  }
0x1b: {  	[sflag:s11] =	ssyncset.done $0x0  }
0x1c: {  	s24 =	simm.s32 $0x10840;
	[sflag:s11] =	ssyncadd.s32 $0xFFFFFFC0  }
0x1d: {  	[tilespmem:s24], [sflag:$0x2] =	stream.linear.gather [hbm4b:s6+s1], $0x20, $0x38;
	[tilespmem:$0x13A60] =	vst v63  }
0x1e: {  	_ =	swait.ge [sflag:s11], $0x20  }
0x1f: {  	[sflag:s11] =	ssyncset.done $0x0  }
0x20: {  	s26 =	simm.s32 $0x400;
	[sflag:s11] =	ssyncadd.s32 $0xFFFFFFE0  }
0x21: {  	[tilespmem:s26], [sflag:$0x1] =	stream.indirect.gather [hbm4b:s3+s15], $0x40, s1, s15, $0xb8;
	[tilespmem:$0x13A60] =	vst v63  }
0x22: {  	s30 =	simm.s32 $0x8400  }
0x23: {  	[tilespmem:s30], [sflag:$0x1] =	stream.indirect.gather [hbm4b:s3+s15], $0x40, s12, s15, $0xb8;
	[tilespmem:$0x13A60] =	vst v63  }
0x24: {  	s24 =	simm.s32 $0x10400  }
0x25: {  	[tilespmem:s24], [sflag:$0x1] =	stream.indirect.gather [hbm4b:s4+s15], $0x1, s1, s15, $0xb8;
	[tilespmem:$0x13A60] =	vst v63  }
0x26: {  	s26 =	simm.s32 $0x10600  }
0x27: {  	[tilespmem:s26], [sflag:$0x1] =	stream.indirect.gather [hbm4b:s4+s15], $0x1, s12, s15, $0xb8;
	[tilespmem:$0x13A60] =	vst v63  }
0x28: {  	s30 =	simm.s32 $0x2400  }
0x29: {  	[tilespmem:s30], [sflag:$0x1] =	stream.indirect.gather [hbm4b:s3+s15], $0x40, s15, s15, $0xb8;
	[tilespmem:$0x13A60] =	vst v63  }
0x2a: {  	s24 =	simm.s32 $0xA400  }
0x2b: {  	[tilespmem:s24], [sflag:$0x1] =	stream.indirect.gather [hbm4b:s3+s15], $0x40, s21, s15, $0xb8;
	[tilespmem:$0x13A60] =	vst v63  }
0x2c: {  	s26 =	simm.s32 $0x10480  }
0x2d: {  	[tilespmem:s26], [sflag:$0x1] =	stream.indirect.gather [hbm4b:s4+s15], $0x1, s15, s15, $0xb8;
	[tilespmem:$0x13A60] =	vst v63  }
0x2e: {  	s30 =	simm.s32 $0x10680  }
0x2f: {  	[tilespmem:s30], [sflag:$0x1] =	stream.indirect.gather [hbm4b:s4+s15], $0x1, s21, s15, $0xb8;
	[tilespmem:$0x13A60] =	vst v63  }
0x30: {  	s24 =	simm.s32 $0x4400  }
0x31: {  	[tilespmem:s24], [sflag:$0x1] =	stream.indirect.gather [hbm4b:s3+s15], $0x40, s25, s15, $0xb8;
	[tilespmem:$0x13A60] =	vst v63  }
0x32: {  	s26 =	simm.s32 $0xC400  }
0x33: {  	[tilespmem:s26], [sflag:$0x1] =	stream.indirect.gather [hbm4b:s3+s15], $0x40, s28, s15, $0xb8;
	[tilespmem:$0x13A60] =	vst v63  }
0x34: {  	s30 =	simm.s32 $0x10500  }
0x35: {  	[tilespmem:s30], [sflag:$0x1] =	stream.indirect.gather [hbm4b:s4+s15], $0x1, s25, s15, $0xb8;
	[tilespmem:$0x13A60] =	vst v63  }
0x36: {  	_ = 	snop  }
0x37: {  	[tilespmem:s31], [sflag:$0x1] =	stream.indirect.gather [hbm4b:s4+s15], $0x1, s28, s15, $0xb8;
	[tilespmem:$0x13A60] =	vst v63  }
0x38: {  	_ = 	snop  }
0x39: {  	[tilespmem:s2], [sflag:$0x1] =	stream.indirect.gather [hbm4b:s3+s15], $0x40, s0, s15, $0xb8;
	[tilespmem:$0x13A60] =	vst v63  }
0x3a: {  	_ = 	snop  }
0x3b: {  	[tilespmem:s14], [sflag:$0x1] =	stream.indirect.gather [hbm4b:s3+s15], $0x40, s13, s15, $0xb8;
	[tilespmem:$0x13A60] =	vst v63  }
0x3c: {  	_ = 	snop  }
0x3d: {  	[tilespmem:s16], [sflag:$0x1] =	stream.indirect.gather [hbm4b:s4+s15], $0x1, s0, s15, $0xb8;
	[tilespmem:$0x13A60] =	vst v63  }
0x3e: {  	_ = 	snop  }
0x3f: {  	[tilespmem:s17], [sflag:$0x1] =	stream.indirect.gather [hbm4b:s4+s15], $0x1, s13, s15, $0xb8;
	[tilespmem:$0x13A60] =	vst v63  }
0x40: {  	_ =	swait.ge [sflag:s18], $0x2000  }
0x41: {  	[sflag:s18] =	ssyncset.done $0x0  }
0x42: {  	[sflag:s18] =	ssyncadd.s32 $0xFFFFE000  }
0x43: {  	_ =	swait.ge [sflag:s18], $0x2000  }
0x44: {  	[sflag:s18] =	ssyncset.done $0x0  }
0x45: {  	[sflag:s18] =	ssyncadd.s32 $0xFFFFE000  }
0x46: {  	_ =	swait.ge [sflag:s18], $0x80  }
0x47: {  	[sflag:s18] =	ssyncset.done $0x0  }
0x48: {  	[sflag:s18] =	ssyncadd.s32 $0xFFFFFF80  }
0x49: {  	_ =	swait.ge [sflag:s18], $0x80  }
0x4a: {  	[sflag:s18] =	ssyncset.done $0x0  }
0x4b: {  	[sflag:s18] =	ssyncadd.s32 $0xFFFFFF80  }
0x4c: {  	_ =	swait.ge [sflag:s18], $0x2000  }
0x4d: {  	[sflag:s18] =	ssyncset.done $0x0  }
0x4e: {  	[sflag:s18] =	ssyncadd.s32 $0xFFFFE000  }
0x4f: {  	_ =	swait.ge [sflag:s18], $0x2000  }
0x50: {  	[sflag:s18] =	ssyncset.done $0x0  }
0x51: {  	[sflag:s18] =	ssyncadd.s32 $0xFFFFE000  }
0x52: {  	_ =	swait.ge [sflag:s18], $0x80  }
0x53: {  	[sflag:s18] =	ssyncset.done $0x0  }
0x54: {  	[sflag:s18] =	ssyncadd.s32 $0xFFFFFF80  }
0x55: {  	_ =	swait.ge [sflag:s18], $0x80  }
0x56: {  	[sflag:s18] =	ssyncset.done $0x0  }
0x57: {  	[sflag:s18] =	ssyncadd.s32 $0xFFFFFF80  }
0x58: {  	_ =	swait.ge [sflag:s18], $0x2000  }
0x59: {  	[sflag:s18] =	ssyncset.done $0x0  }
0x5a: {  	[sflag:s18] =	ssyncadd.s32 $0xFFFFE000  }
0x5b: {  	_ =	swait.ge [sflag:s18], $0x2000  }
0x5c: {  	[sflag:s18] =	ssyncset.done $0x0  }
0x5d: {  	[sflag:s18] =	ssyncadd.s32 $0xFFFFE000  }
0x5e: {  	_ =	swait.ge [sflag:s18], $0x80  }
0x5f: {  	[sflag:s18] =	ssyncset.done $0x0  }
0x60: {  	[sflag:s18] =	ssyncadd.s32 $0xFFFFFF80  }
0x61: {  	_ =	swait.ge [sflag:s18], $0x80  }
0x62: {  	[sflag:s18] =	ssyncset.done $0x0  }
0x63: {  	[sflag:s18] =	ssyncadd.s32 $0xFFFFFF80  }
0x64: {  	_ =	swait.ge [sflag:s18], $0x2000  }
0x65: {  	[sflag:s18] =	ssyncset.done $0x0  }
0x66: {  	[sflag:s18] =	ssyncadd.s32 $0xFFFFE000  }
0x67: {  	_ =	swait.ge [sflag:s18], $0x2000  }
0x68: {  	[sflag:s18] =	ssyncset.done $0x0  }
0x69: {  	[sflag:s18] =	ssyncadd.s32 $0xFFFFE000  }
0x6a: {  	_ =	swait.ge [sflag:s18], $0x80  }
0x6b: {  	[sflag:s18] =	ssyncset.done $0x0  }
0x6c: {  	[sflag:s18] =	ssyncadd.s32 $0xFFFFFF80  }
0x6d: {  	_ =	swait.ge [sflag:s18], $0x80  }
0x6e: {  	[sflag:s18] =	ssyncset.done $0x0  }
0x6f: {  	[sflag:s18] =	ssyncadd.s32 $0xFFFFFF80  }
0x70: {  	v19 =	vld [tilespmem:$0x10800]  }
0x71: {  	s23 =	simm.s32 $0x0;
	v20 =	vld [tilespmem:$0x10810]  }
0x72: {  	v16 =	vld [tilespmem:s23+$0x8400]  }
0x73: {  	v17 =	vld [tilespmem:s23+$0x8410]  }
0x74: {  	v21 =	vld [tilespmem:s23+$0x400]  }
0x75: {  	v22 =	vld [tilespmem:s23+$0x410]  }
0x76: {  	v23 =	vld [tilespmem:s23+$0x8420]  }
0x77: {  	v24 =	vld [tilespmem:s23+$0x420]  }
0x78: {  	v18 =	vld [tilespmem:$0x10820]  }
0x79: {  	v25 =	vld [tilespmem:s23+$0x8430]  }
0x7a: {  	v26 =	vld [tilespmem:s23+$0x430]  }
0x7b: {  	v16 =	vmul.f32 v16, v21;
	v17 =	vmul.f32 v17, v22  }
0x7c: {  	v21 =	vld [tilespmem:$0x10830];
	v22 =	vmul.f32 v23, v24  }
0x7d: {  	v16 =	vmul.f32 v16, v19;
	v17 =	vmul.f32 v17, v20;
	_ =	sdelay $0x1  }
0x7e: {  	v23 =	vmul.f32 v25, v26;
	v22 =	vmul.f32 v22, v18;
	v16 =	vadd.f32 v17, v16;
	_ =	sdelay $0x1  }
0x7f: {  	v17 =	vmul.f32 v23, v21;
	v22 =	vadd.f32 v22, v16;
	_ =	sdelay $0x1  }
0x80: {  	v22 =	vadd.f32 v17, v22  }
0x81: {  	s24 =	simm.s32 $0x10890;
	v16 =	vld [tilespmem:$0x10840]  }
0x82: {  	v17 =	vld [tilespmem:$0x10850];
	[tilespmem:s24+$0xFFFFFFD0] =	vst v22  }
0x83: {  	v22 =	vld [tilespmem:s23+$0x440]  }
0x84: {  	v23 =	vld [tilespmem:s23+$0x8440]  }
0x85: {  	v24 =	vld [tilespmem:s23+$0x8450]  }
0x86: {  	v25 =	vld [tilespmem:s23+$0x450]  }
0x87: {  	v26 =	vld [tilespmem:s23+$0x8460]  }
0x88: {  	v27 =	vld [tilespmem:s23+$0x460];
	_ =	sdelay $0x1  }
0x89: {  	v28 =	vld [tilespmem:s23+$0x8470]  }
0x8a: {  	v22 =	vmul.f32 v23, v22;
	v23 =	vld [tilespmem:s23+$0x470]  }
0x8b: {  	v24 =	vmul.f32 v24, v25  }
0x8c: {  	v25 =	vmul.f32 v26, v27  }
0x8d: {  	v22 =	vmul.f32 v22, v19;
	v24 =	vmul.f32 v24, v20;
	_ =	sdelay $0x1  }
0x8e: {  	v22 =	vadd.f32 v24, v22;
	v24 =	vmul.f32 v25, v18;
	v23 =	vmul.f32 v28, v23;
	_ =	sdelay $0x1  }
0x8f: {  	v22 =	vadd.f32 v24, v22;
	v23 =	vmul.f32 v23, v21;
	_ =	sdelay $0x1  }
0x90: {  	v22 =	vadd.f32 v23, v22;
	_ =	sdelay $0x1  }
0x91: {  	[tilespmem:s24+$0xFFFFFFE8] =	vst v22  }
0x92: {  	v22 =	vld [tilespmem:s23+$0x480]  }
0x93: {  	v23 =	vld [tilespmem:s23+$0x8480]  }
0x94: {  	v24 =	vld [tilespmem:s23+$0x4A0]  }
0x95: {  	v25 =	vld [tilespmem:s23+$0x8490]  }
0x96: {  	v26 =	vld [tilespmem:s23+$0x490]  }
0x97: {  	v27 =	vld [tilespmem:s23+$0x84A0];
	_ =	sdelay $0x1  }
0x98: {  	v63 =	vld [tilespmem:s23+$0x4B0]  }
0x99: {  	v29 =	vld [tilespmem:s23+$0x84B0]  }
0x9a: {  	v22 =	vmul.f32 v23, v22;
	v23 =	vmul.f32 v25, v26  }
0x9b: {  	v24 =	vmul.f32 v27, v24  }
0x9c: {  	v22 =	vmul.f32 v22, v19;
	v23 =	vmul.f32 v23, v20;
	_ =	sdelay $0x1  }
0x9d: {  	v25 =	vmul.f32 v29, v63;
	v22 =	vadd.f32 v23, v22;
	v23 =	vmul.f32 v24, v18;
	_ =	sdelay $0x1  }
0x9e: {  	v22 =	vadd.f32 v23, v22;
	v23 =	vmul.f32 v25, v21;
	_ =	sdelay $0x1  }
0x9f: {  	v22 =	vadd.f32 v23, v22;
	_ =	sdelay $0x1  }
0xa0: {  	[tilespmem:s24+$0x0] =	vst v22  }
0xa1: {  	v22 =	vld [tilespmem:s23+$0x4C0]  }
0xa2: {  	v24 =	vld [tilespmem:s23+$0x84C0]  }
0xa3: {  	s29 =	simm.s32 $0x400;
	s26 =	simm.s32 $0x10890;
	v23 =	vld [tilespmem:s23+$0x4D0]  }
.LBB2_2:
0xa4: {  	p0 =	sne.s32 s29, $0x1FC00  }
0xa5: {  	v25 =	vld [tilespmem:s23+$0x84D0];
	s24 =	sadd.s32 $0x60, s24;
	s30 =	smov.u32 s29;
	s29 =	sadd.s32 $0x400, s29  }
0xa6: {  	v26 =	vld [tilespmem:s23+$0x4E0]  }
0xa7: {  	v27 =	vld [tilespmem:s23+$0x84E0]  }
0xa8: {  	v22 =	vmul.f32 v24, v22;
	v24 =	vld [tilespmem:s23+$0x4F0]  }
0xa9: {  	v28 =	vld [tilespmem:s23+$0x84F0]  }
0xaa: {  	v22 =	vmul.f32 v22, v19;
	v23 =	vmul.f32 v25, v23;
	_ =	sdelay $0x1  }
0xab: {  	v23 =	vmul.f32 v23, v20;
	v25 =	vmul.f32 v27, v26;
	_ =	sdelay $0x1  }
0xac: {  	v22 =	vadd.f32 v23, v22;
	v23 =	vmul.f32 v25, v18;
	v24 =	vmul.f32 v28, v24;
	_ =	sdelay $0x1  }
0xad: {  	v22 =	vadd.f32 v23, v22;
	v23 =	vmul.f32 v24, v21;
	_ =	sdelay $0x1  }
0xae: {  	v22 =	vadd.f32 v23, v22;
	_ =	sdelay $0x1  }
0xaf: {  	[tilespmem:s26+$0x18] =	vst v22;
	s26 =	smov.u32 s24  }
0xb0: {  	s23 =	sshra.s32 s30, $0x2  }
0xb1: {  	v22 =	vld [tilespmem:s23+$0x8400]  }
0xb2: {  	v23 =	vld [tilespmem:s23+$0x8410]  }
0xb3: {  	v24 =	vld [tilespmem:s23+$0x400]  }
0xb4: {  	v25 =	vld [tilespmem:s23+$0x410]  }
0xb5: {  	v26 =	vld [tilespmem:s23+$0x8420]  }
0xb6: {  	v27 =	vld [tilespmem:s23+$0x420]  }
0xb7: {  	v28 =	vld [tilespmem:s23+$0x8430]  }
0xb8: {  	v29 =	vld [tilespmem:s23+$0x430]  }
0xb9: {  	v22 =	vmul.f32 v22, v24;
	v23 =	vmul.f32 v23, v25;
	_ =	sdelay $0x1  }
0xba: {  	v22 =	vmul.f32 v22, v19;
	v24 =	vmul.f32 v26, v27  }
0xbb: {  	v23 =	vmul.f32 v23, v20  }
0xbc: {  	v24 =	vmul.f32 v24, v18;
	v25 =	vmul.f32 v28, v29  }
0xbd: {  	v22 =	vadd.f32 v23, v22  }
0xbe: {  	v23 =	vmul.f32 v25, v21  }
0xbf: {  	v22 =	vadd.f32 v24, v22;
	_ =	sdelay $0x1  }
0xc0: {  	v22 =	vadd.f32 v23, v22;
	_ =	sdelay $0x1  }
0xc1: {  	[tilespmem:s24+$0xFFFFFFD0] =	vst v22  }
0xc2: {  	v22 =	vld [tilespmem:s23+$0x440]  }
0xc3: {  	v23 =	vld [tilespmem:s23+$0x8440]  }
0xc4: {  	v24 =	vld [tilespmem:s23+$0x8450]  }
0xc5: {  	v25 =	vld [tilespmem:s23+$0x450]  }
0xc6: {  	v26 =	vld [tilespmem:s23+$0x8460]  }
0xc7: {  	v27 =	vld [tilespmem:s23+$0x460]  }
0xc8: {  	v22 =	vmul.f32 v23, v22;
	v23 =	vld [tilespmem:s23+$0x8470]  }
0xc9: {  	v28 =	vld [tilespmem:s23+$0x470]  }
0xca: {  	v22 =	vmul.f32 v22, v19;
	v24 =	vmul.f32 v24, v25;
	_ =	sdelay $0x1  }
0xcb: {  	v24 =	vmul.f32 v24, v20;
	v25 =	vmul.f32 v26, v27;
	_ =	sdelay $0x1  }
0xcc: {  	v22 =	vadd.f32 v24, v22;
	v24 =	vmul.f32 v25, v18;
	v23 =	vmul.f32 v23, v28;
	_ =	sdelay $0x1  }
0xcd: {  	v22 =	vadd.f32 v24, v22;
	v23 =	vmul.f32 v23, v21;
	_ =	sdelay $0x1  }
0xce: {  	v22 =	vadd.f32 v23, v22;
	_ =	sdelay $0x1  }
0xcf: {  	[tilespmem:s24+$0xFFFFFFE8] =	vst v22  }
0xd0: {  	v22 =	vld [tilespmem:s23+$0x480]  }
0xd1: {  	v23 =	vld [tilespmem:s23+$0x8480]  }
0xd2: {  	v24 =	vld [tilespmem:s23+$0x4A0]  }
0xd3: {  	v25 =	vld [tilespmem:s23+$0x84A0]  }
0xd4: {  	v26 =	vld [tilespmem:s23+$0x8490]  }
0xd5: {  	v27 =	vld [tilespmem:s23+$0x490]  }
0xd6: {  	v22 =	vmul.f32 v23, v22;
	v23 =	vld [tilespmem:s23+$0x4B0]  }
0xd7: {  	v28 =	vld [tilespmem:s23+$0x84B0]  }
0xd8: {  	v24 =	vmul.f32 v25, v24;
	_ =	sdelay $0x1  }
0xd9: {  	v25 =	vmul.f32 v26, v27;
	_ =	sdelay $0x1  }
0xda: {  	v22 =	vmul.f32 v22, v19;
	v25 =	vmul.f32 v25, v20  }
0xdb: {  	v23 =	vmul.f32 v28, v23  }
0xdc: {  	v24 =	vmul.f32 v24, v18;
	v22 =	vadd.f32 v25, v22;
	_ =	sdelay $0x1  }
0xdd: {  	v23 =	vmul.f32 v23, v21;
	v22 =	vadd.f32 v24, v22;
	_ =	sdelay $0x1  }
0xde: {  	v22 =	vadd.f32 v23, v22  }
.Ltmp0:
0xdf: {  	(pc) =	sbr.rel @p0 .LBB2_2-.Ltmp0, $4  }
0xe0: {  	[tilespmem:s24+$0x0] =	vst v22  }
0xe1: {  	v22 =	vld [tilespmem:s23+$0x4C0]  }
0xe2: {  	v24 =	vld [tilespmem:s23+$0x84C0]  }
0xe3: {  	v23 =	vld [tilespmem:s23+$0x4D0]  }
0xe4: {  	v25 =	vld [tilespmem:s23+$0x84D0]  }
0xe5: {  	v26 =	vld [tilespmem:s23+$0x4E0]  }
0xe6: {  	v27 =	vld [tilespmem:s23+$0x84E0];
	_ =	sdelay $0x1  }
0xe7: {  	v28 =	vld [tilespmem:s23+$0x4F0]  }
0xe8: {  	v29 =	vld [tilespmem:s23+$0x84F0];
	s24 =	simm.s32 $0x0  }
0xe9: {  	v59 =	vmov s24;
	v22 =	vmul.f32 v24, v22;
	v23 =	vmul.f32 v25, v23  }
0xea: {  	v60 =	vmul.u32 $0x18, v59;
	v58 =	vmul.f32 v27, v26  }
0xeb: {  	v19 =	vmul.f32 v22, v19;
	v20 =	vmul.f32 v23, v20  }
0xec: {  	v22 =	vbroadcast v60, $0x0  }
0xed: {  	v18 =	vmul.f32 v58, v18;
	v19 =	vadd.f32 v20, v19;
	v20 =	vmul.f32 v29, v28;
	_ =	sdelay $0x1  }
0xee: {  	v18 =	vadd.f32 v18, v19;
	v19 =	vmul.f32 v20, v21;
	v20 =	vadd.s32 v1, v22  }
0xef: {  	v61 =	vadd.s32 v0, v22  }
0xf0: {  	v18 =	vadd.f32 v19, v18  }
0xf1: {  	v19 =	vadd.s32 v2, v22  }
0xf2: {  	[tilespmem:s26+$0x18] =	vst v18  }
0xf3: {  	v18 =	vld.idx.msk [tilespmem:v20+s19+$0x0], $0xffff;
	v20 =	vadd.s32 v3, v22  }
0xf4: {  	v21 =	vld.idx.msk [tilespmem:v61+s19+$0x0], $0xffff  }
0xf5: {  	v62 =	vadd.s32 v4, v22  }
0xf6: {  	v19 =	vld.idx.msk [tilespmem:v19+s19+$0x0], $0xffff  }
0xf7: {  	v63 =	vadd.s32 v5, v22  }
0xf8: {  	v20 =	vld.idx.msk [tilespmem:v20+s19+$0x0], $0xffff  }
0xf9: {  	v28 =	vadd.s32 v6, v22;
	v18 =	vadd.f32 v18, v21  }
0xfa: {  	v29 =	vld.idx.msk [tilespmem:v62+s19+$0x0], $0xffff  }
0xfb: {  	v30 =	vadd.s32 v7, v22;
	v18 =	vadd.f32 v19, v18  }
0xfc: {  	v19 =	vld.idx.msk [tilespmem:v63+s19+$0x0], $0xffff  }
0xfd: {  	v31 =	vadd.s32 v8, v22;
	v18 =	vadd.f32 v20, v18  }
0xfe: {  	v20 =	vld.idx.msk [tilespmem:v28+s19+$0x0], $0xffff  }
0xff: {  	v32 =	vadd.s32 v9, v22;
	v18 =	vadd.f32 v29, v18  }
0x100: {  	v33 =	vld.idx.msk [tilespmem:v30+s19+$0x0], $0xffff  }
0x101: {  	v34 =	vadd.s32 v10, v22;
	v18 =	vadd.f32 v19, v18  }
0x102: {  	v19 =	vld.idx.msk [tilespmem:v31+s19+$0x0], $0xffff  }
0x103: {  	v35 =	vadd.s32 v11, v22;
	v18 =	vadd.f32 v20, v18  }
0x104: {  	v20 =	vld.idx.msk [tilespmem:v32+s19+$0x0], $0xffff  }
0x105: {  	v36 =	vadd.s32 v12, v22;
	v18 =	vadd.f32 v33, v18  }
0x106: {  	v23 =	vld.idx.msk [tilespmem:v34+s19+$0x0], $0xffff  }
0x107: {  	v37 =	vadd.s32 v13, v22;
	v18 =	vadd.f32 v19, v18  }
0x108: {  	s26 =	simm.s32 $0x10400;
	v19 =	vld.idx.msk [tilespmem:v35+s19+$0x0], $0xffff  }
0x109: {  	v38 =	vadd.s32 v14, v22;
	v39 =	vld [tilespmem:s26+$0x0];
	v18 =	vadd.f32 v20, v18  }
0x10a: {  	s24 =	simm.s32 $0x10600;
	v20 =	vld.idx.msk [tilespmem:v36+s19+$0x0], $0xffff  }
0x10b: {  	v22 =	vadd.s32 v15, v22;
	v40 =	vld [tilespmem:s24+$0x0];
	v18 =	vadd.f32 v23, v18  }
0x10c: {  	v21 =	vld.idx.msk [tilespmem:v37+s19+$0x0], $0xffff  }
0x10d: {  	v18 =	vadd.f32 v19, v18  }
0x10e: {  	v19 =	vld.idx.msk [tilespmem:v38+s19+$0x0], $0xffff  }
0x10f: {  	v18 =	vadd.f32 v20, v18  }
0x110: {  	v20 =	vld.idx.msk [tilespmem:v22+s19+$0x0], $0xffff  }
0x111: {  	v41 =	vadd.f32 v40, v39;
	v18 =	vadd.f32 v21, v18;
	_ =	sdelay $0x1  }
0x112: {  	v18 =	vadd.f32 v19, v18;
	v19 =	vmul.f32 v41, v16;
	_ =	sdelay $0x1  }
0x113: {  	v18 =	vadd.f32 v20, v18;
	v19 =	vadd.f32 v19, v17;
	_ =	sdelay $0x1  }
0x114: {  	v18 =	vadd.f32 v19, v18;
	_ =	sdelay $0x1  }
0x115: {  	v18 =	vsub.f32 $0.0e+00, v18;
	_ =	sdelay $0x1  }
0x116: {  	v18 =	vmul.f32 $1.442695020e+00, v18;
	_ =	sdelay $0x1  }
0x117: {  	(erf) = vpow2.f32 v18;
	_ =	sdelay $0x8  }
0x118: {  	v18 =	vpop (erf)  }
0x119: {  	v18 =	vadd.f32 $1.000000000e+00, v18;
	_ =	sdelay $0x1  }
0x11a: {  	s30 =	simm.s32 $0x10;
	(erf) = vrcp.f32 v18  }
0x11b: {  	v18 =	vmov s30  }
0x11c: {  	v18 =	vmul.u32 $0x18, v18;
	_ =	sdelay $0x1  }
0x11d: {  	v18 =	vbroadcast v18, $0x0;
	_ =	sdelay $0x1  }
0x11e: {  	v19 =	vadd.s32 v1, v18  }
0x11f: {  	v20 =	vadd.s32 v0, v18;
	_ =	sdelay $0x1  }
0x120: {  	s23 =	simm.s32 $0x13860;
	v42 =	vadd.s32 v2, v18;
	v43 =	vpop (erf)  }
0x121: {  	[tilespmem:s23+$0x0] =	vst v43  }
0x122: {  	v44 =	vadd.s32 v3, v18;
	v19 =	vld.idx.msk [tilespmem:v19+s19+$0x0], $0xffff  }
0x123: {  	v20 =	vld.idx.msk [tilespmem:v20+s19+$0x0], $0xffff  }
0x124: {  	v45 =	vadd.s32 v4, v18  }
0x125: {  	v21 =	vld.idx.msk [tilespmem:v42+s19+$0x0], $0xffff  }
0x126: {  	v46 =	vadd.s32 v5, v18  }
0x127: {  	v22 =	vld.idx.msk [tilespmem:v44+s19+$0x0], $0xffff  }
0x128: {  	v47 =	vadd.s32 v6, v18;
	v19 =	vadd.f32 v19, v20  }
0x129: {  	v20 =	vld.idx.msk [tilespmem:v45+s19+$0x0], $0xffff  }
0x12a: {  	v48 =	vadd.s32 v7, v18;
	v19 =	vadd.f32 v21, v19  }
0x12b: {  	v49 =	vld.idx.msk [tilespmem:v46+s19+$0x0], $0xffff  }
0x12c: {  	v50 =	vadd.s32 v8, v18;
	v19 =	vadd.f32 v22, v19  }
0x12d: {  	v51 =	vld.idx.msk [tilespmem:v47+s19+$0x0], $0xffff  }
0x12e: {  	v52 =	vadd.s32 v9, v18;
	v19 =	vadd.f32 v20, v19  }
0x12f: {  	v20 =	vld.idx.msk [tilespmem:v48+s19+$0x0], $0xffff  }
0x130: {  	v53 =	vadd.s32 v10, v18;
	v19 =	vadd.f32 v49, v19  }
0x131: {  	v54 =	vld.idx.msk [tilespmem:v50+s19+$0x0], $0xffff  }
0x132: {  	v55 =	vadd.s32 v11, v18;
	v19 =	vadd.f32 v51, v19  }
0x133: {  	v57 =	vadd.s32 v12, v18;
	v56 =	vld.idx.msk [tilespmem:v52+s19+$0x0], $0xffff  }
0x134: {  	v19 =	vadd.f32 v20, v19  }
0x135: {  	v23 =	vld.idx.msk [tilespmem:v53+s19+$0x0], $0xffff  }
0x136: {  	v20 =	vadd.s32 v13, v18;
	v19 =	vadd.f32 v54, v19  }
0x137: {  	v58 =	vld.idx.msk [tilespmem:v55+s19+$0x0], $0xffff  }
0x138: {  	s24 =	simm.s32 $0x10410;
	v59 =	vadd.s32 v14, v18;
	v60 =	vld.idx.msk [tilespmem:v57+s19+$0x0], $0xffff;
	v19 =	vadd.f32 v56, v19  }
0x139: {  	s26 =	simm.s32 $0x10610;
	v61 =	vld [tilespmem:s24+$0x0]  }
0x13a: {  	v62 =	vld [tilespmem:s26+$0x0];
	v18 =	vadd.s32 v15, v18;
	v19 =	vadd.f32 v23, v19  }
0x13b: {  	v20 =	vld.idx.msk [tilespmem:v20+s19+$0x0], $0xffff  }
0x13c: {  	v19 =	vadd.f32 v58, v19  }
0x13d: {  	v63 =	vld.idx.msk [tilespmem:v59+s19+$0x0], $0xffff  }
0x13e: {  	v19 =	vadd.f32 v60, v19  }
0x13f: {  	v18 =	vld.idx.msk [tilespmem:v18+s19+$0x0], $0xffff  }
0x140: {  	v19 =	vadd.f32 v20, v19;
	v20 =	vadd.f32 v62, v61;
	_ =	sdelay $0x1  }
0x141: {  	v19 =	vadd.f32 v63, v19;
	v20 =	vmul.f32 v20, v16;
	_ =	sdelay $0x1  }
0x142: {  	v18 =	vadd.f32 v18, v19;
	v19 =	vadd.f32 v20, v17;
	_ =	sdelay $0x1  }
0x143: {  	v18 =	vadd.f32 v19, v18;
	_ =	sdelay $0x1  }
0x144: {  	v18 =	vsub.f32 $0.0e+00, v18;
	_ =	sdelay $0x1  }
0x145: {  	v18 =	vmul.f32 $1.442695020e+00, v18;
	_ =	sdelay $0x1  }
0x146: {  	(erf) = vpow2.f32 v18;
	_ =	sdelay $0x8  }
0x147: {  	v18 =	vpop (erf)  }
0x148: {  	v18 =	vadd.f32 $1.000000000e+00, v18;
	_ =	sdelay $0x1  }
0x149: {  	s29 =	simm.s32 $0x20;
	(erf) = vrcp.f32 v18  }
0x14a: {  	v19 =	vmov s29  }
0x14b: {  	s29 =	simm.s32 $0x30;
	v18 =	vmul.u32 $0x18, v19  }
.LBB2_4:
0x14c: {  	p0 =	sne.s32 s29, $0x1F0  }
0x14d: {  	v18 =	vbroadcast v18, $0x0;
	_ =	sdelay $0x1  }
0x14e: {  	v19 =	vadd.s32 v1, v18  }
0x14f: {  	v20 =	vadd.s32 v0, v18;
	_ =	sdelay $0x1  }
0x150: {  	s23 =	sadd.s32 $0x10, s23;
	v21 =	vadd.s32 v2, v18;
	v22 =	vpop (erf)  }
0x151: {  	[tilespmem:s23+$0x0] =	vst v22  }
0x152: {  	v22 =	vadd.s32 v3, v18;
	v19 =	vld.idx.msk [tilespmem:v19+s19+$0x0], $0xffff  }
0x153: {  	v20 =	vld.idx.msk [tilespmem:v20+s19+$0x0], $0xffff  }
0x154: {  	v23 =	vadd.s32 v4, v18  }
0x155: {  	v21 =	vld.idx.msk [tilespmem:v21+s19+$0x0], $0xffff  }
0x156: {  	v24 =	vadd.s32 v5, v18  }
0x157: {  	v22 =	vld.idx.msk [tilespmem:v22+s19+$0x0], $0xffff  }
0x158: {  	v25 =	vadd.s32 v6, v18  }
0x159: {  	v19 =	vadd.f32 v19, v20;
	v20 =	vld.idx.msk [tilespmem:v23+s19+$0x0], $0xffff  }
0x15a: {  	v23 =	vadd.s32 v7, v18  }
0x15b: {  	v19 =	vadd.f32 v21, v19;
	v21 =	vld.idx.msk [tilespmem:v24+s19+$0x0], $0xffff  }
0x15c: {  	v24 =	vadd.s32 v8, v18  }
0x15d: {  	v19 =	vadd.f32 v22, v19;
	v22 =	vld.idx.msk [tilespmem:v25+s19+$0x0], $0xffff  }
0x15e: {  	v25 =	vadd.s32 v9, v18  }
0x15f: {  	v19 =	vadd.f32 v20, v19;
	v20 =	vld.idx.msk [tilespmem:v23+s19+$0x0], $0xffff  }
0x160: {  	v23 =	vadd.s32 v10, v18  }
0x161: {  	v19 =	vadd.f32 v21, v19;
	v21 =	vld.idx.msk [tilespmem:v24+s19+$0x0], $0xffff  }
0x162: {  	v24 =	vadd.s32 v11, v18  }
0x163: {  	v19 =	vadd.f32 v22, v19;
	v22 =	vld.idx.msk [tilespmem:v25+s19+$0x0], $0xffff  }
0x164: {  	v25 =	vadd.s32 v12, v18  }
0x165: {  	v19 =	vadd.f32 v20, v19;
	v20 =	vld.idx.msk [tilespmem:v23+s19+$0x0], $0xffff;
	v23 =	vadd.s32 v13, v18;
	_ =	sdelay $0x1  }
0x166: {  	v19 =	vadd.f32 v21, v19;
	v21 =	vld.idx.msk [tilespmem:v24+s19+$0x0], $0xffff  }
0x167: {  	v24 =	vadd.s32 v14, v18  }
0x168: {  	v19 =	vadd.f32 v22, v19;
	v22 =	vld.idx.msk [tilespmem:v25+s19+$0x0], $0xffff  }
0x169: {  	s24 =	sadd.s32 $0x10, s24;
	v18 =	vadd.s32 v15, v18;
	v23 =	vld.idx.msk [tilespmem:v23+s19+$0x0], $0xffff  }
0x16a: {  	s26 =	sadd.s32 $0x10, s26;
	v19 =	vadd.f32 v20, v19;
	v20 =	vld [tilespmem:s24+$0x0]  }
0x16b: {  	v25 =	vld [tilespmem:s26+$0x0]  }
0x16c: {  	v19 =	vadd.f32 v21, v19;
	v21 =	vld.idx.msk [tilespmem:v24+s19+$0x0], $0xffff;
	_ =	sdelay $0x1  }
0x16d: {  	v19 =	vadd.f32 v22, v19;
	v18 =	vld.idx.msk [tilespmem:v18+s19+$0x0], $0xffff;
	_ =	sdelay $0x1  }
0x16e: {  	v19 =	vadd.f32 v23, v19;
	v20 =	vadd.f32 v25, v20;
	_ =	sdelay $0x1  }
0x16f: {  	v19 =	vadd.f32 v21, v19;
	v20 =	vmul.f32 v20, v16;
	_ =	sdelay $0x1  }
0x170: {  	v18 =	vadd.f32 v18, v19;
	v19 =	vadd.f32 v20, v17;
	_ =	sdelay $0x1  }
0x171: {  	v18 =	vadd.f32 v19, v18;
	_ =	sdelay $0x1  }
0x172: {  	v18 =	vsub.f32 $0.0e+00, v18;
	_ =	sdelay $0x1  }
0x173: {  	v18 =	vmul.f32 $1.442695020e+00, v18;
	_ =	sdelay $0x1  }
0x174: {  	(erf) = vpow2.f32 v18;
	_ =	sdelay $0x8  }
0x175: {  	v18 =	vpop (erf)  }
.Ltmp1:
0x176: {  	v18 =	vadd.f32 $1.000000000e+00, v18;
	(pc) =	sbr.rel @p0 .LBB2_4-.Ltmp1, $4  }
0x177: {  	_ = 	snop  }
0x178: {  	(erf) = vrcp.f32 v18  }
0x179: {  	v18 =	vmov s29  }
0x17a: {  	s29 =	sadd.s32 $0x10, s29;
	v18 =	vmul.u32 $0x18, v18  }
0x17b: {  	_ = 	snop  }
0x17c: {  	v18 =	vbroadcast v18, $0x0;
	_ =	sdelay $0x1  }
0x17d: {  	v19 =	vadd.s32 v1, v18  }
0x17e: {  	v20 =	vadd.s32 v0, v18;
	_ =	sdelay $0x1  }
0x17f: {  	s23 =	sadd.s32 $0x10, s23;
	v21 =	vadd.s32 v2, v18;
	v22 =	vpop (erf)  }
0x180: {  	[tilespmem:s23+$0x0] =	vst v22  }
0x181: {  	v43 =	vadd.s32 v3, v18;
	v19 =	vld.idx.msk [tilespmem:v19+s19+$0x0], $0xffff  }
0x182: {  	v20 =	vld.idx.msk [tilespmem:v20+s19+$0x0], $0xffff  }
0x183: {  	v23 =	vadd.s32 v4, v18  }
0x184: {  	v21 =	vld.idx.msk [tilespmem:v21+s19+$0x0], $0xffff  }
0x185: {  	v24 =	vadd.s32 v5, v18  }
0x186: {  	v22 =	vld.idx.msk [tilespmem:v43+s19+$0x0], $0xffff  }
0x187: {  	v25 =	vadd.s32 v6, v18;
	v19 =	vadd.f32 v19, v20  }
0x188: {  	v44 =	vld.idx.msk [tilespmem:v23+s19+$0x0], $0xffff  }
0x189: {  	v45 =	vadd.s32 v7, v18;
	v19 =	vadd.f32 v21, v19  }
0x18a: {  	v46 =	vld.idx.msk [tilespmem:v24+s19+$0x0], $0xffff  }
0x18b: {  	v47 =	vadd.s32 v8, v18;
	v19 =	vadd.f32 v22, v19  }
0x18c: {  	v48 =	vld.idx.msk [tilespmem:v25+s19+$0x0], $0xffff  }
0x18d: {  	v49 =	vadd.s32 v9, v18;
	v19 =	vadd.f32 v44, v19  }
0x18e: {  	v50 =	vld.idx.msk [tilespmem:v45+s19+$0x0], $0xffff  }
0x18f: {  	v51 =	vadd.s32 v10, v18;
	v19 =	vadd.f32 v46, v19  }
0x190: {  	v52 =	vld.idx.msk [tilespmem:v47+s19+$0x0], $0xffff  }
0x191: {  	v53 =	vadd.s32 v11, v18;
	v19 =	vadd.f32 v48, v19  }
0x192: {  	v55 =	vadd.s32 v12, v18;
	v54 =	vld.idx.msk [tilespmem:v49+s19+$0x0], $0xffff  }
0x193: {  	v19 =	vadd.f32 v50, v19  }
0x194: {  	v23 =	vld.idx.msk [tilespmem:v51+s19+$0x0], $0xffff  }
0x195: {  	v56 =	vadd.s32 v13, v18;
	v19 =	vadd.f32 v52, v19  }
0x196: {  	v57 =	vld.idx.msk [tilespmem:v53+s19+$0x0], $0xffff  }
0x197: {  	s24 =	sadd.s32 $0x10, s24;
	v58 =	vadd.s32 v14, v18;
	v59 =	vld.idx.msk [tilespmem:v55+s19+$0x0], $0xffff;
	v19 =	vadd.f32 v54, v19  }
0x198: {  	s30 =	sadd.s32 $0x10, s26;
	v60 =	vld [tilespmem:s24+$0x0]  }
0x199: {  	v18 =	vadd.s32 v15, v18;
	v61 =	vld [tilespmem:s30+$0x0];
	v19 =	vadd.f32 v23, v19  }
0x19a: {  	v20 =	vld.idx.msk [tilespmem:v56+s19+$0x0], $0xffff  }
0x19b: {  	v19 =	vadd.f32 v57, v19  }
0x19c: {  	v62 =	vld.idx.msk [tilespmem:v58+s19+$0x0], $0xffff  }
0x19d: {  	v19 =	vadd.f32 v59, v19  }
0x19e: {  	v18 =	vld.idx.msk [tilespmem:v18+s19+$0x0], $0xffff  }
0x19f: {  	v63 =	vadd.f32 v61, v60;
	v19 =	vadd.f32 v20, v19;
	_ =	sdelay $0x1  }
0x1a0: {  	v16 =	vmul.f32 v63, v16;
	v19 =	vadd.f32 v62, v19;
	_ =	sdelay $0x1  }
0x1a1: {  	v16 =	vadd.f32 v16, v17;
	v18 =	vadd.f32 v18, v19;
	_ =	sdelay $0x1  }
0x1a2: {  	v16 =	vadd.f32 v16, v18;
	_ =	sdelay $0x1  }
0x1a3: {  	v16 =	vsub.f32 $0.0e+00, v16;
	_ =	sdelay $0x1  }
0x1a4: {  	v16 =	vmul.f32 $1.442695020e+00, v16;
	_ =	sdelay $0x1  }
0x1a5: {  	(erf) = vpow2.f32 v16;
	_ =	sdelay $0x8  }
0x1a6: {  	v16 =	vpop (erf)  }
0x1a7: {  	v16 =	vadd.f32 $1.000000000e+00, v16;
	_ =	sdelay $0x1  }
0x1a8: {  	(erf) = vrcp.f32 v16;
	_ =	sdelay $0x7  }
0x1a9: {  	s22 =	sadd.s32 $0x1, s22  }
0x1aa: {  	p0 =	sne.s32 s22, s10;
	s23 =	sadd.s32 $0x10, s23;
	v16 =	vpop (erf)  }
.Ltmp2:
0x1ab: {  	[tilespmem:s23+$0x0] =	vst v16;
	(pc) =	sbr.rel @p0 .LBB2_1-.Ltmp2, $4  }
0x1ac: {  	[hbm4b:s9+s1] =	stream.linear.scatter [tilespmem:s20], [sflag:$0x2], $0x200, $0x38;
	[tilespmem:$0x13A60] =	vst v63  }
0x1ad: {  	_ =	swait.ge [sflag:s11], $0x200  }
0x1ae: {  	[sflag:s11] =	ssyncset.done $0x0  }
0x1af: {  	[sflag:s11] =	ssyncadd.s32 $0xFFFFFE00  }
0x1b0: {  	_ =	sfence.sel $0x180000  }
0x1b1: {  	[bflag:$0x0] =	sbarrier.arrive $0xFFFF  }
0x1b2: {  	_ =	strace $0x90000047  }
0x1b3: {  	s0 =	stileid.u32;
	[bflag:$0x2] =	sbarrier.arrive $0xFFFF  }
0x1b4: {  	p0 =	sne.s32 s0, $0x0;
	s0 =	rddreg [dreg:$0x4]  }
0x1b5: {  	s0 =	sadd.s32 @!p0 $0x100000, s0  }
0x1b6: {  	[sflag:s0] =	ssyncadd.tile.s32 @!p0 $0x1;
	_ =	shalt  }
.Lfunc_end2:
_tile_overlayer_lowered:
.L_overlay_start_2:
0x1b7: {  	(tag) =	ssettag $0x2  }
0x1b8: {  	s0 =	rddreg [dreg:$0x0];
	s2 =	stileid.u32  }
0x1b9: {  	s1 =	rddreg [dreg:$0x1];
	p0 =	sne.s32 s2, $0x0  }
0x1ba: {  	s3 =	rddreg [dreg:$0x2];
	[bflag:$0x3] =	sbarrier.arrive $0xFFFF;
	s2 =	simm.s32 @!p0 $0x1C02  }
0x1bb: {  	[timem:s3], [sflag:s2] =	dma.local @!p0 [hbm:s0], s1  }
0x1bc: {  	s0 =	simm.s32 @!p0 $0x2  }
0x1bd: {  	_ =	swait.ge @!p0 [sflag:s0], s1  }
0x1be: {  	s1 =	ssub.s32 @!p0 $0x0, s1;
	[sflag:s0] =	ssyncset.done @!p0 $0x0  }
0x1bf: {  	[sflag:s0] =	ssyncadd.s32 @!p0 s1  }
0x1c0: {  	[bflag:$0x3] =	sbarrier.arrive $0xFFFF  }
0x1c1: {  	_ =	shalt  }

</sc_bundles>
